<compile_context>
chip_gen: v7x
topology: tpu7x:2x2x1
jax: 0.10.2.dev20260603
libtpu: 0.0.44.dev20260713+nightly
codegen_flags: <defaults>
</compile_context>

<pallas_src>
import functools

import jax
import jax.numpy as jnp
from jax import lax
from jax.experimental import pallas as pl
from jax.experimental.pallas import tpu as pltpu
from jax.experimental.pallas import tpu_sc as plsc

B = 4
S = 8192
D = 768
EPS = 1e-12

NC = 2
NS = 16
NW = NC * NS
ROWS_PER_W = B * S // NW
CH = 64
NCH = ROWS_PER_W // CH

RB = 256
NSB = S // RB


def _sc_gather(ids_hbm, wemb_hbm, g_hbm, idx_v, b0, b1, si0, si1, so0, so1):
  cid = lax.axis_index("c")
  sid = lax.axis_index("s")
  wid = sid * NC + cid
  r0 = wid * ROWS_PER_W

  pltpu.sync_copy(ids_hbm.at[pl.ds(r0, ROWS_PER_W)], idx_v)

  bufs = (b0, b1)
  sin = (si0, si1)
  sout = (so0, so1)

  def start_in(c):
    return pltpu.async_copy(
        wemb_hbm.at[idx_v.at[pl.ds(c * CH, CH)]], bufs[c % 2], sin[c % 2])

  def start_out(c):
    return pltpu.async_copy(
        bufs[c % 2], g_hbm.at[pl.ds(r0 + c * CH, CH)], sout[c % 2])

  in_h = {0: start_in(0)}
  out_h = {}
  for c in range(NCH):
    in_h.pop(c).wait()
    if c >= 2:
      out_h.pop(c - 2).wait()
    if c + 1 < NCH:
      in_h[c + 1] = start_in(c + 1)
    out_h[c] = start_out(c)
  for c in out_h:
    out_h[c].wait()


@jax.jit
def _run(ids_flat, word_emb, pos_emb, gamma2d, beta2d):
  mesh = plsc.VectorSubcoreMesh(
      core_axis_name="c", subcore_axis_name="s", num_cores=NC, num_subcores=NS)
  gathered = functools.partial(
      pl.kernel,
      out_type=jax.ShapeDtypeStruct((B * S, D), jnp.float32),
      mesh=mesh,
      scratch_types=[
          pltpu.VMEM((ROWS_PER_W,), jnp.int32),
          pltpu.VMEM((CH, D), jnp.float32),
          pltpu.VMEM((CH, D), jnp.float32),
          pltpu.SemaphoreType.DMA,
          pltpu.SemaphoreType.DMA,
          pltpu.SemaphoreType.DMA,
          pltpu.SemaphoreType.DMA,
      ],
      compiler_params=pltpu.CompilerParams(needs_layout_passes=False),
  )(_sc_gather)(ids_flat, word_emb)

  def _ln_tc(rows_ref, pos_ref, gam_ref, bet_ref, out_ref):
    x = rows_ref[...] + pos_ref[...]
    mean = jnp.mean(x, axis=-1, keepdims=True)
    xc = x - mean
    var = jnp.mean(xc * xc, axis=-1, keepdims=True)
    out_ref[...] = xc * lax.rsqrt(var + EPS) * gam_ref[...] + bet_ref[...]

  out = pl.pallas_call(
      _ln_tc,
      grid=(NSB, B),
      in_specs=[
          pl.BlockSpec((RB, D), lambda i, j: (j * NSB + i, 0)),
          pl.BlockSpec((RB, D), lambda i, j: (i, 0)),
          pl.BlockSpec((1, D), lambda i, j: (0, 0)),
          pl.BlockSpec((1, D), lambda i, j: (0, 0)),
      ],
      out_specs=pl.BlockSpec((RB, D), lambda i, j: (j * NSB + i, 0)),
      out_shape=jax.ShapeDtypeStruct((B * S, D), jnp.float32),
  )(gathered, pos_emb, gamma2d, beta2d)
  return out


def kernel(input_ids, word_emb, pos_emb, ln_gamma, ln_beta):
  ids_flat = input_ids.reshape(B * S).astype(jnp.int32)
  out = _run(ids_flat, word_emb, pos_emb,
             ln_gamma.reshape(1, D).astype(jnp.float32),
             ln_beta.reshape(1, D).astype(jnp.float32))
  return out.reshape(B, S, D)

# --- scband reference (transcript-rebuilt; emitter-appended) ---
"""Pipeline reference for scband-embeddings-46308337385862 (READ-ONLY COPY).

The authoritative reference and input builder live on the scoring server;
editing this copy changes nothing except your own understanding.
"""

import jax, jax.numpy as jnp
import numpy as np

VOCAB = 100000
DIM = 768
MAX_POS = 8192
B = 4
S = 8192
EPS = 1e-12


def setup_inputs(seed: int = 0) -> dict:
    key = jax.random.key(seed)
    k1, k2, k3 = jax.random.split(key, 3)
    input_ids = jax.random.randint(k1, (B, S), 0, VOCAB, dtype=jnp.int64 if jax.config.jax_enable_x64 else jnp.int32)
    word_emb = jax.random.normal(k2, (VOCAB, DIM), dtype=jnp.float32) * 0.02
    pos_emb = jax.random.normal(k3, (MAX_POS, DIM), dtype=jnp.float32) * 0.02
    ln_gamma = jnp.ones((DIM,), dtype=jnp.float32)
    ln_beta = jnp.zeros((DIM,), dtype=jnp.float32)
    return {"input_ids": input_ids, "word_emb": word_emb, "pos_emb": pos_emb, "ln_gamma": ln_gamma, "ln_beta": ln_beta}


def reference(input_ids, word_emb, pos_emb, ln_gamma, ln_beta):
    # word embedding lookup (gather)
    input_embeds = jnp.take(word_emb, input_ids, axis=0)  # [B, S, D]
    seq_length = input_embeds.shape[1]
    position_ids = jnp.arange(seq_length)[None, :]  # [1, S]
    position_embeddings = jnp.take(pos_emb, position_ids, axis=0)  # [1, S, D]
    embeddings = input_embeds + position_embeddings
    # LayerNorm over last dim, eps=1e-12
    mean = jnp.mean(embeddings, axis=-1, keepdims=True)
    var = jnp.mean(jnp.square(embeddings - mean), axis=-1, keepdims=True)
    normed = (embeddings - mean) / jnp.sqrt(var + EPS)
    out = normed * ln_gamma + ln_beta
    # dropout is identity in eval mode
    return out

if __name__ == "__main__":
    import jax
    _d = setup_inputs()
    print(jax.jit(kernel)(*tuple(_d.values())))

</pallas_src>

<mosaic_0001>
#map = affine_map<(d0, d1) -> (0)>
#map1 = affine_map<(d0, d1) -> (0, 0)>
module attributes {stable_mosaic.version = 14 : i64} {
  func.func @_sc_gather(%arg0: i32, %arg1: i32, %arg2: memref<32768xi32, #tpu.memory_space<hbm>>, %arg3: memref<100000x768xf32, #tpu.memory_space<hbm>>, %arg4: memref<32768x768xf32, #tpu.memory_space<hbm>>, %arg5: memref<1024xi32, #tpu.memory_space<vmem>>, %arg6: memref<64x768xf32, #tpu.memory_space<vmem>>, %arg7: memref<64x768xf32, #tpu.memory_space<vmem>>, %arg8: memref<!tpu.dma_semaphore, #tpu.memory_space<semaphore_mem>>, %arg9: memref<!tpu.dma_semaphore, #tpu.memory_space<semaphore_mem>>, %arg10: memref<!tpu.dma_semaphore, #tpu.memory_space<semaphore_mem>>, %arg11: memref<!tpu.dma_semaphore, #tpu.memory_space<semaphore_mem>>) attributes {dimension_semantics = [#tpu.dimension_semantics<core_parallel>, #tpu.dimension_semantics<subcore_parallel>], iteration_bounds = array<i64: 2, 16>, scalar_prefetch = 0 : i64, scratch_operands = 7 : i64, tpu.core_type = #tpu.core_type<sc_vector_subcore>, window_params = [{transform_indices = #map}, {transform_indices = #map1}, {transform_indices = #map1}]} {
    %mul3A = arith.constant 2 : i32
    %mul3A_0 = arith.muli %arg1, %mul3A : i32
    %add3A = arith.addi %mul3A_0, %arg0 : i32
    %mul3A_1 = arith.constant 1024 : i32
    %mul3A_2 = arith.muli %add3A, %mul3A_1 : i32
    "tpu.region"() ({
      %run_scoped3A = tpu.sem_alloc : memref<!tpu.dma_semaphore, #tpu.memory_space<semaphore_mem>>
      %dma_start3A_321 = tpu.memref_slice %arg2[%mul3A_2] : memref<32768xi32, #tpu.memory_space<hbm>> -> memref<1024xi32, #tpu.memory_space<hbm>>
      %dma_start3A_322 = tpu.memref_slice %arg2[%mul3A_2] : memref<32768xi32, #tpu.memory_space<hbm>> -> memref<1024xi32, #tpu.memory_space<hbm>>
      tpu.enqueue_dma source(%dma_start3A_322 : memref<1024xi32, #tpu.memory_space<hbm>>) target(%arg5 : memref<1024xi32, #tpu.memory_space<vmem>>) target_semaphore(%run_scoped3A : memref<!tpu.dma_semaphore, #tpu.memory_space<semaphore_mem>>)
      %dma_wait3A_323 = tpu.memref_slice %arg2[%mul3A_2] : memref<32768xi32, #tpu.memory_space<hbm>> -> memref<1024xi32, #tpu.memory_space<hbm>>
      %dma_wait3A_324 = tpu.memref_slice %arg2[%mul3A_2] : memref<32768xi32, #tpu.memory_space<hbm>> -> memref<1024xi32, #tpu.memory_space<hbm>>
      tpu.wait_dma2 semaphore(%run_scoped3A : memref<!tpu.dma_semaphore, #tpu.memory_space<semaphore_mem>>) src(%dma_wait3A_324 : memref<1024xi32, #tpu.memory_space<hbm>>) dst(%arg5 : memref<1024xi32, #tpu.memory_space<vmem>>)
      tpu.yield
    }) : () -> ()
    %dma_start3A = arith.constant 0 : i32
    %dma_start3A_3 = tpu.memref_slice %arg5[%dma_start3A] : memref<1024xi32, #tpu.memory_space<vmem>> -> memref<64xi32, #tpu.memory_space<vmem>>
    %dma_start3A_4 = arith.constant 0 : i32
    %dma_start3A_5 = arith.constant 0 : i32
    %dma_start3A_6 = tpu.memref_slice %arg3[%dma_start3A_4, %dma_start3A_5] : memref<100000x768xf32, #tpu.memory_space<hbm>> -> memref<100000x768xf32, #tpu.memory_space<hbm>>
    tpu.enqueue_indirect_dma source(%dma_start3A_6 : memref<100000x768xf32, #tpu.memory_space<hbm>>) target(%arg6 : memref<64x768xf32, #tpu.memory_space<vmem>>) offsets(%dma_start3A_3 : memref<64xi32, #tpu.memory_space<vmem>>) semaphore(%arg8 : memref<!tpu.dma_semaphore, #tpu.memory_space<semaphore_mem>>)
    %dma_wait3A = arith.constant 0 : i32
    %dma_wait3A_7 = tpu.memref_slice %arg5[%dma_wait3A] : memref<1024xi32, #tpu.memory_space<vmem>> -> memref<64xi32, #tpu.memory_space<vmem>>
    %dma_wait3A_8 = arith.constant 0 : i32
    %dma_wait3A_9 = arith.constant 0 : i32
    %dma_wait3A_10 = tpu.memref_slice %arg3[%dma_wait3A_8, %dma_wait3A_9] : memref<100000x768xf32, #tpu.memory_space<hbm>> -> memref<100000x768xf32, #tpu.memory_space<hbm>>
    tpu.wait_indirect_dma semaphore(%arg8 : memref<!tpu.dma_semaphore, #tpu.memory_space<semaphore_mem>>) src(%dma_wait3A_10 : memref<100000x768xf32, #tpu.memory_space<hbm>>) dst(%arg6 : memref<64x768xf32, #tpu.memory_space<vmem>>)
    %dma_start3A_11 = arith.constant 64 : i32
    %dma_start3A_12 = tpu.memref_slice %arg5[%dma_start3A_11] : memref<1024xi32, #tpu.memory_space<vmem>> -> memref<64xi32, #tpu.memory_space<vmem>>
    %dma_start3A_13 = arith.constant 0 : i32
    %dma_start3A_14 = arith.constant 0 : i32
    %dma_start3A_15 = tpu.memref_slice %arg3[%dma_start3A_13, %dma_start3A_14] : memref<100000x768xf32, #tpu.memory_space<hbm>> -> memref<100000x768xf32, #tpu.memory_space<hbm>>
    tpu.enqueue_indirect_dma source(%dma_start3A_15 : memref<100000x768xf32, #tpu.memory_space<hbm>>) target(%arg7 : memref<64x768xf32, #tpu.memory_space<vmem>>) offsets(%dma_start3A_12 : memref<64xi32, #tpu.memory_space<vmem>>) semaphore(%arg9 : memref<!tpu.dma_semaphore, #tpu.memory_space<semaphore_mem>>)
    %add3A_16 = arith.constant 0 : i32
    %add3A_17 = arith.addi %mul3A_2, %add3A_16 : i32
    %dma_start3A_18 = arith.constant 0 : i32
    %dma_start3A_19 = tpu.memref_slice %arg4[%add3A_17, %dma_start3A_18] : memref<32768x768xf32, #tpu.memory_space<hbm>> -> memref<64x768xf32, #tpu.memory_space<hbm>>
    %dma_start3A_20 = arith.constant 0 : i32
    %dma_start3A_21 = tpu.memref_slice %arg4[%add3A_17, %dma_start3A_20] : memref<32768x768xf32, #tpu.memory_space<hbm>> -> memref<64x768xf32, #tpu.memory_space<hbm>>
    tpu.enqueue_dma source(%arg6 : memref<64x768xf32, #tpu.memory_space<vmem>>) target(%dma_start3A_21 : memref<64x768xf32, #tpu.memory_space<hbm>>) target_semaphore(%arg10 : memref<!tpu.dma_semaphore, #tpu.memory_space<semaphore_mem>>)
    %dma_wait3A_22 = arith.constant 64 : i32
    %dma_wait3A_23 = tpu.memref_slice %arg5[%dma_wait3A_22] : memref<1024xi32, #tpu.memory_space<vmem>> -> memref<64xi32, #tpu.memory_space<vmem>>
    %dma_wait3A_24 = arith.constant 0 : i32
    %dma_wait3A_25 = arith.constant 0 : i32
    %dma_wait3A_26 = tpu.memref_slice %arg3[%dma_wait3A_24, %dma_wait3A_25] : memref<100000x768xf32, #tpu.memory_space<hbm>> -> memref<100000x768xf32, #tpu.memory_space<hbm>>
    tpu.wait_indirect_dma semaphore(%arg9 : memref<!tpu.dma_semaphore, #tpu.memory_space<semaphore_mem>>) src(%dma_wait3A_26 : memref<100000x768xf32, #tpu.memory_space<hbm>>) dst(%arg7 : memref<64x768xf32, #tpu.memory_space<vmem>>)
    %dma_start3A_27 = arith.constant 128 : i32
    %dma_start3A_28 = tpu.memref_slice %arg5[%dma_start3A_27] : memref<1024xi32, #tpu.memory_space<vmem>> -> memref<64xi32, #tpu.memory_space<vmem>>
    %dma_start3A_29 = arith.constant 0 : i32
    %dma_start3A_30 = arith.constant 0 : i32
    %dma_start3A_31 = tpu.memref_slice %arg3[%dma_start3A_29, %dma_start3A_30] : memref<100000x768xf32, #tpu.memory_space<hbm>> -> memref<100000x768xf32, #tpu.memory_space<hbm>>
    tpu.enqueue_indirect_dma source(%dma_start3A_31 : memref<100000x768xf32, #tpu.memory_space<hbm>>) target(%arg6 : memref<64x768xf32, #tpu.memory_space<vmem>>) offsets(%dma_start3A_28 : memref<64xi32, #tpu.memory_space<vmem>>) semaphore(%arg8 : memref<!tpu.dma_semaphore, #tpu.memory_space<semaphore_mem>>)
    %add3A_32 = arith.constant 64 : i32
    %add3A_33 = arith.addi %mul3A_2, %add3A_32 : i32
    %dma_start3A_34 = arith.constant 0 : i32
    %dma_start3A_35 = tpu.memref_slice %arg4[%add3A_33, %dma_start3A_34] : memref<32768x768xf32, #tpu.memory_space<hbm>> -> memref<64x768xf32, #tpu.memory_space<hbm>>
    %dma_start3A_36 = arith.constant 0 : i32
    %dma_start3A_37 = tpu.memref_slice %arg4[%add3A_33, %dma_start3A_36] : memref<32768x768xf32, #tpu.memory_space<hbm>> -> memref<64x768xf32, #tpu.memory_space<hbm>>
    tpu.enqueue_dma source(%arg7 : memref<64x768xf32, #tpu.memory_space<vmem>>) target(%dma_start3A_37 : memref<64x768xf32, #tpu.memory_space<hbm>>) target_semaphore(%arg11 : memref<!tpu.dma_semaphore, #tpu.memory_space<semaphore_mem>>)
    %dma_wait3A_38 = arith.constant 128 : i32
    %dma_wait3A_39 = tpu.memref_slice %arg5[%dma_wait3A_38] : memref<1024xi32, #tpu.memory_space<vmem>> -> memref<64xi32, #tpu.memory_space<vmem>>
    %dma_wait3A_40 = arith.constant 0 : i32
    %dma_wait3A_41 = arith.constant 0 : i32
    %dma_wait3A_42 = tpu.memref_slice %arg3[%dma_wait3A_40, %dma_wait3A_41] : memref<100000x768xf32, #tpu.memory_space<hbm>> -> memref<100000x768xf32, #tpu.memory_space<hbm>>
    tpu.wait_indirect_dma semaphore(%arg8 : memref<!tpu.dma_semaphore, #tpu.memory_space<semaphore_mem>>) src(%dma_wait3A_42 : memref<100000x768xf32, #tpu.memory_space<hbm>>) dst(%arg6 : memref<64x768xf32, #tpu.memory_space<vmem>>)
    %dma_wait3A_43 = arith.constant 0 : i32
    %dma_wait3A_44 = tpu.memref_slice %arg4[%add3A_17, %dma_wait3A_43] : memref<32768x768xf32, #tpu.memory_space<hbm>> -> memref<64x768xf32, #tpu.memory_space<hbm>>
    %dma_wait3A_45 = arith.constant 0 : i32
    %dma_wait3A_46 = tpu.memref_slice %arg4[%add3A_17, %dma_wait3A_45] : memref<32768x768xf32, #tpu.memory_space<hbm>> -> memref<64x768xf32, #tpu.memory_space<hbm>>
    tpu.wait_dma2 semaphore(%arg10 : memref<!tpu.dma_semaphore, #tpu.memory_space<semaphore_mem>>) src(%arg6 : memref<64x768xf32, #tpu.memory_space<vmem>>) dst(%dma_wait3A_46 : memref<64x768xf32, #tpu.memory_space<hbm>>)
    %dma_start3A_47 = arith.constant 192 : i32
    %dma_start3A_48 = tpu.memref_slice %arg5[%dma_start3A_47] : memref<1024xi32, #tpu.memory_space<vmem>> -> memref<64xi32, #tpu.memory_space<vmem>>
    %dma_start3A_49 = arith.constant 0 : i32
    %dma_start3A_50 = arith.constant 0 : i32
    %dma_start3A_51 = tpu.memref_slice %arg3[%dma_start3A_49, %dma_start3A_50] : memref<100000x768xf32, #tpu.memory_space<hbm>> -> memref<100000x768xf32, #tpu.memory_space<hbm>>
    tpu.enqueue_indirect_dma source(%dma_start3A_51 : memref<100000x768xf32, #tpu.memory_space<hbm>>) target(%arg7 : memref<64x768xf32, #tpu.memory_space<vmem>>) offsets(%dma_start3A_48 : memref<64xi32, #tpu.memory_space<vmem>>) semaphore(%arg9 : memref<!tpu.dma_semaphore, #tpu.memory_space<semaphore_mem>>)
    %add3A_52 = arith.constant 128 : i32
    %add3A_53 = arith.addi %mul3A_2, %add3A_52 : i32
    %dma_start3A_54 = arith.constant 0 : i32
    %dma_start3A_55 = tpu.memref_slice %arg4[%add3A_53, %dma_start3A_54] : memref<32768x768xf32, #tpu.memory_space<hbm>> -> memref<64x768xf32, #tpu.memory_space<hbm>>
    %dma_start3A_56 = arith.constant 0 : i32
    %dma_start3A_57 = tpu.memref_slice %arg4[%add3A_53, %dma_start3A_56] : memref<32768x768xf32, #tpu.memory_space<hbm>> -> memref<64x768xf32, #tpu.memory_space<hbm>>
    tpu.enqueue_dma source(%arg6 : memref<64x768xf32, #tpu.memory_space<vmem>>) target(%dma_start3A_57 : memref<64x768xf32, #tpu.memory_space<hbm>>) target_semaphore(%arg10 : memref<!tpu.dma_semaphore, #tpu.memory_space<semaphore_mem>>)
    %dma_wait3A_58 = arith.constant 192 : i32
    %dma_wait3A_59 = tpu.memref_slice %arg5[%dma_wait3A_58] : memref<1024xi32, #tpu.memory_space<vmem>> -> memref<64xi32, #tpu.memory_space<vmem>>
    %dma_wait3A_60 = arith.constant 0 : i32
    %dma_wait3A_61 = arith.constant 0 : i32
    %dma_wait3A_62 = tpu.memref_slice %arg3[%dma_wait3A_60, %dma_wait3A_61] : memref<100000x768xf32, #tpu.memory_space<hbm>> -> memref<100000x768xf32, #tpu.memory_space<hbm>>
    tpu.wait_indirect_dma semaphore(%arg9 : memref<!tpu.dma_semaphore, #tpu.memory_space<semaphore_mem>>) src(%dma_wait3A_62 : memref<100000x768xf32, #tpu.memory_space<hbm>>) dst(%arg7 : memref<64x768xf32, #tpu.memory_space<vmem>>)
    %dma_wait3A_63 = arith.constant 0 : i32
    %dma_wait3A_64 = tpu.memref_slice %arg4[%add3A_33, %dma_wait3A_63] : memref<32768x768xf32, #tpu.memory_space<hbm>> -> memref<64x768xf32, #tpu.memory_space<hbm>>
    %dma_wait3A_65 = arith.constant 0 : i32
    %dma_wait3A_66 = tpu.memref_slice %arg4[%add3A_33, %dma_wait3A_65] : memref<32768x768xf32, #tpu.memory_space<hbm>> -> memref<64x768xf32, #tpu.memory_space<hbm>>
    tpu.wait_dma2 semaphore(%arg11 : memref<!tpu.dma_semaphore, #tpu.memory_space<semaphore_mem>>) src(%arg7 : memref<64x768xf32, #tpu.memory_space<vmem>>) dst(%dma_wait3A_66 : memref<64x768xf32, #tpu.memory_space<hbm>>)
    %dma_start3A_67 = arith.constant 256 : i32
    %dma_start3A_68 = tpu.memref_slice %arg5[%dma_start3A_67] : memref<1024xi32, #tpu.memory_space<vmem>> -> memref<64xi32, #tpu.memory_space<vmem>>
    %dma_start3A_69 = arith.constant 0 : i32
    %dma_start3A_70 = arith.constant 0 : i32
    %dma_start3A_71 = tpu.memref_slice %arg3[%dma_start3A_69, %dma_start3A_70] : memref<100000x768xf32, #tpu.memory_space<hbm>> -> memref<100000x768xf32, #tpu.memory_space<hbm>>
    tpu.enqueue_indirect_dma source(%dma_start3A_71 : memref<100000x768xf32, #tpu.memory_space<hbm>>) target(%arg6 : memref<64x768xf32, #tpu.memory_space<vmem>>) offsets(%dma_start3A_68 : memref<64xi32, #tpu.memory_space<vmem>>) semaphore(%arg8 : memref<!tpu.dma_semaphore, #tpu.memory_space<semaphore_mem>>)
    %add3A_72 = arith.constant 192 : i32
    %add3A_73 = arith.addi %mul3A_2, %add3A_72 : i32
    %dma_start3A_74 = arith.constant 0 : i32
    %dma_start3A_75 = tpu.memref_slice %arg4[%add3A_73, %dma_start3A_74] : memref<32768x768xf32, #tpu.memory_space<hbm>> -> memref<64x768xf32, #tpu.memory_space<hbm>>
    %dma_start3A_76 = arith.constant 0 : i32
    %dma_start3A_77 = tpu.memref_slice %arg4[%add3A_73, %dma_start3A_76] : memref<32768x768xf32, #tpu.memory_space<hbm>> -> memref<64x768xf32, #tpu.memory_space<hbm>>
    tpu.enqueue_dma source(%arg7 : memref<64x768xf32, #tpu.memory_space<vmem>>) target(%dma_start3A_77 : memref<64x768xf32, #tpu.memory_space<hbm>>) target_semaphore(%arg11 : memref<!tpu.dma_semaphore, #tpu.memory_space<semaphore_mem>>)
    %dma_wait3A_78 = arith.constant 256 : i32
    %dma_wait3A_79 = tpu.memref_slice %arg5[%dma_wait3A_78] : memref<1024xi32, #tpu.memory_space<vmem>> -> memref<64xi32, #tpu.memory_space<vmem>>
    %dma_wait3A_80 = arith.constant 0 : i32
    %dma_wait3A_81 = arith.constant 0 : i32
    %dma_wait3A_82 = tpu.memref_slice %arg3[%dma_wait3A_80, %dma_wait3A_81] : memref<100000x768xf32, #tpu.memory_space<hbm>> -> memref<100000x768xf32, #tpu.memory_space<hbm>>
    tpu.wait_indirect_dma semaphore(%arg8 : memref<!tpu.dma_semaphore, #tpu.memory_space<semaphore_mem>>) src(%dma_wait3A_82 : memref<100000x768xf32, #tpu.memory_space<hbm>>) dst(%arg6 : memref<64x768xf32, #tpu.memory_space<vmem>>)
    %dma_wait3A_83 = arith.constant 0 : i32
    %dma_wait3A_84 = tpu.memref_slice %arg4[%add3A_53, %dma_wait3A_83] : memref<32768x768xf32, #tpu.memory_space<hbm>> -> memref<64x768xf32, #tpu.memory_space<hbm>>
    %dma_wait3A_85 = arith.constant 0 : i32
    %dma_wait3A_86 = tpu.memref_slice %arg4[%add3A_53, %dma_wait3A_85] : memref<32768x768xf32, #tpu.memory_space<hbm>> -> memref<64x768xf32, #tpu.memory_space<hbm>>
    tpu.wait_dma2 semaphore(%arg10 : memref<!tpu.dma_semaphore, #tpu.memory_space<semaphore_mem>>) src(%arg6 : memref<64x768xf32, #tpu.memory_space<vmem>>) dst(%dma_wait3A_86 : memref<64x768xf32, #tpu.memory_space<hbm>>)
    %dma_start3A_87 = arith.constant 320 : i32
    %dma_start3A_88 = tpu.memref_slice %arg5[%dma_start3A_87] : memref<1024xi32, #tpu.memory_space<vmem>> -> memref<64xi32, #tpu.memory_space<vmem>>
    %dma_start3A_89 = arith.constant 0 : i32
    %dma_start3A_90 = arith.constant 0 : i32
    %dma_start3A_91 = tpu.memref_slice %arg3[%dma_start3A_89, %dma_start3A_90] : memref<100000x768xf32, #tpu.memory_space<hbm>> -> memref<100000x768xf32, #tpu.memory_space<hbm>>
    tpu.enqueue_indirect_dma source(%dma_start3A_91 : memref<100000x768xf32, #tpu.memory_space<hbm>>) target(%arg7 : memref<64x768xf32, #tpu.memory_space<vmem>>) offsets(%dma_start3A_88 : memref<64xi32, #tpu.memory_space<vmem>>) semaphore(%arg9 : memref<!tpu.dma_semaphore, #tpu.memory_space<semaphore_mem>>)
    %add3A_92 = arith.constant 256 : i32
    %add3A_93 = arith.addi %mul3A_2, %add3A_92 : i32
    %dma_start3A_94 = arith.constant 0 : i32
    %dma_start3A_95 = tpu.memref_slice %arg4[%add3A_93, %dma_start3A_94] : memref<32768x768xf32, #tpu.memory_space<hbm>> -> memref<64x768xf32, #tpu.memory_space<hbm>>
    %dma_start3A_96 = arith.constant 0 : i32
    %dma_start3A_97 = tpu.memref_slice %arg4[%add3A_93, %dma_start3A_96] : memref<32768x768xf32, #tpu.memory_space<hbm>> -> memref<64x768xf32, #tpu.memory_space<hbm>>
    tpu.enqueue_dma source(%arg6 : memref<64x768xf32, #tpu.memory_space<vmem>>) target(%dma_start3A_97 : memref<64x768xf32, #tpu.memory_space<hbm>>) target_semaphore(%arg10 : memref<!tpu.dma_semaphore, #tpu.memory_space<semaphore_mem>>)
    %dma_wait3A_98 = arith.constant 320 : i32
    %dma_wait3A_99 = tpu.memref_slice %arg5[%dma_wait3A_98] : memref<1024xi32, #tpu.memory_space<vmem>> -> memref<64xi32, #tpu.memory_space<vmem>>
    %dma_wait3A_100 = arith.constant 0 : i32
    %dma_wait3A_101 = arith.constant 0 : i32
    %dma_wait3A_102 = tpu.memref_slice %arg3[%dma_wait3A_100, %dma_wait3A_101] : memref<100000x768xf32, #tpu.memory_space<hbm>> -> memref<100000x768xf32, #tpu.memory_space<hbm>>
    tpu.wait_indirect_dma semaphore(%arg9 : memref<!tpu.dma_semaphore, #tpu.memory_space<semaphore_mem>>) src(%dma_wait3A_102 : memref<100000x768xf32, #tpu.memory_space<hbm>>) dst(%arg7 : memref<64x768xf32, #tpu.memory_space<vmem>>)
    %dma_wait3A_103 = arith.constant 0 : i32
    %dma_wait3A_104 = tpu.memref_slice %arg4[%add3A_73, %dma_wait3A_103] : memref<32768x768xf32, #tpu.memory_space<hbm>> -> memref<64x768xf32, #tpu.memory_space<hbm>>
    %dma_wait3A_105 = arith.constant 0 : i32
    %dma_wait3A_106 = tpu.memref_slice %arg4[%add3A_73, %dma_wait3A_105] : memref<32768x768xf32, #tpu.memory_space<hbm>> -> memref<64x768xf32, #tpu.memory_space<hbm>>
    tpu.wait_dma2 semaphore(%arg11 : memref<!tpu.dma_semaphore, #tpu.memory_space<semaphore_mem>>) src(%arg7 : memref<64x768xf32, #tpu.memory_space<vmem>>) dst(%dma_wait3A_106 : memref<64x768xf32, #tpu.memory_space<hbm>>)
    %dma_start3A_107 = arith.constant 384 : i32
    %dma_start3A_108 = tpu.memref_slice %arg5[%dma_start3A_107] : memref<1024xi32, #tpu.memory_space<vmem>> -> memref<64xi32, #tpu.memory_space<vmem>>
    %dma_start3A_109 = arith.constant 0 : i32
    %dma_start3A_110 = arith.constant 0 : i32
    %dma_start3A_111 = tpu.memref_slice %arg3[%dma_start3A_109, %dma_start3A_110] : memref<100000x768xf32, #tpu.memory_space<hbm>> -> memref<100000x768xf32, #tpu.memory_space<hbm>>
    tpu.enqueue_indirect_dma source(%dma_start3A_111 : memref<100000x768xf32, #tpu.memory_space<hbm>>) target(%arg6 : memref<64x768xf32, #tpu.memory_space<vmem>>) offsets(%dma_start3A_108 : memref<64xi32, #tpu.memory_space<vmem>>) semaphore(%arg8 : memref<!tpu.dma_semaphore, #tpu.memory_space<semaphore_mem>>)
    %add3A_112 = arith.constant 320 : i32
    %add3A_113 = arith.addi %mul3A_2, %add3A_112 : i32
    %dma_start3A_114 = arith.constant 0 : i32
    %dma_start3A_115 = tpu.memref_slice %arg4[%add3A_113, %dma_start3A_114] : memref<32768x768xf32, #tpu.memory_space<hbm>> -> memref<64x768xf32, #tpu.memory_space<hbm>>
    %dma_start3A_116 = arith.constant 0 : i32
    %dma_start3A_117 = tpu.memref_slice %arg4[%add3A_113, %dma_start3A_116] : memref<32768x768xf32, #tpu.memory_space<hbm>> -> memref<64x768xf32, #tpu.memory_space<hbm>>
    tpu.enqueue_dma source(%arg7 : memref<64x768xf32, #tpu.memory_space<vmem>>) target(%dma_start3A_117 : memref<64x768xf32, #tpu.memory_space<hbm>>) target_semaphore(%arg11 : memref<!tpu.dma_semaphore, #tpu.memory_space<semaphore_mem>>)
    %dma_wait3A_118 = arith.constant 384 : i32
    %dma_wait3A_119 = tpu.memref_slice %arg5[%dma_wait3A_118] : memref<1024xi32, #tpu.memory_space<vmem>> -> memref<64xi32, #tpu.memory_space<vmem>>
    %dma_wait3A_120 = arith.constant 0 : i32
    %dma_wait3A_121 = arith.constant 0 : i32
    %dma_wait3A_122 = tpu.memref_slice %arg3[%dma_wait3A_120, %dma_wait3A_121] : memref<100000x768xf32, #tpu.memory_space<hbm>> -> memref<100000x768xf32, #tpu.memory_space<hbm>>
    tpu.wait_indirect_dma semaphore(%arg8 : memref<!tpu.dma_semaphore, #tpu.memory_space<semaphore_mem>>) src(%dma_wait3A_122 : memref<100000x768xf32, #tpu.memory_space<hbm>>) dst(%arg6 : memref<64x768xf32, #tpu.memory_space<vmem>>)
    %dma_wait3A_123 = arith.constant 0 : i32
    %dma_wait3A_124 = tpu.memref_slice %arg4[%add3A_93, %dma_wait3A_123] : memref<32768x768xf32, #tpu.memory_space<hbm>> -> memref<64x768xf32, #tpu.memory_space<hbm>>
    %dma_wait3A_125 = arith.constant 0 : i32
    %dma_wait3A_126 = tpu.memref_slice %arg4[%add3A_93, %dma_wait3A_125] : memref<32768x768xf32, #tpu.memory_space<hbm>> -> memref<64x768xf32, #tpu.memory_space<hbm>>
    tpu.wait_dma2 semaphore(%arg10 : memref<!tpu.dma_semaphore, #tpu.memory_space<semaphore_mem>>) src(%arg6 : memref<64x768xf32, #tpu.memory_space<vmem>>) dst(%dma_wait3A_126 : memref<64x768xf32, #tpu.memory_space<hbm>>)
    %dma_start3A_127 = arith.constant 448 : i32
    %dma_start3A_128 = tpu.memref_slice %arg5[%dma_start3A_127] : memref<1024xi32, #tpu.memory_space<vmem>> -> memref<64xi32, #tpu.memory_space<vmem>>
    %dma_start3A_129 = arith.constant 0 : i32
    %dma_start3A_130 = arith.constant 0 : i32
    %dma_start3A_131 = tpu.memref_slice %arg3[%dma_start3A_129, %dma_start3A_130] : memref<100000x768xf32, #tpu.memory_space<hbm>> -> memref<100000x768xf32, #tpu.memory_space<hbm>>
    tpu.enqueue_indirect_dma source(%dma_start3A_131 : memref<100000x768xf32, #tpu.memory_space<hbm>>) target(%arg7 : memref<64x768xf32, #tpu.memory_space<vmem>>) offsets(%dma_start3A_128 : memref<64xi32, #tpu.memory_space<vmem>>) semaphore(%arg9 : memref<!tpu.dma_semaphore, #tpu.memory_space<semaphore_mem>>)
    %add3A_132 = arith.constant 384 : i32
    %add3A_133 = arith.addi %mul3A_2, %add3A_132 : i32
    %dma_start3A_134 = arith.constant 0 : i32
    %dma_start3A_135 = tpu.memref_slice %arg4[%add3A_133, %dma_start3A_134] : memref<32768x768xf32, #tpu.memory_space<hbm>> -> memref<64x768xf32, #tpu.memory_space<hbm>>
    %dma_start3A_136 = arith.constant 0 : i32
    %dma_start3A_137 = tpu.memref_slice %arg4[%add3A_133, %dma_start3A_136] : memref<32768x768xf32, #tpu.memory_space<hbm>> -> memref<64x768xf32, #tpu.memory_space<hbm>>
    tpu.enqueue_dma source(%arg6 : memref<64x768xf32, #tpu.memory_space<vmem>>) target(%dma_start3A_137 : memref<64x768xf32, #tpu.memory_space<hbm>>) target_semaphore(%arg10 : memref<!tpu.dma_semaphore, #tpu.memory_space<semaphore_mem>>)
    %dma_wait3A_138 = arith.constant 448 : i32
    %dma_wait3A_139 = tpu.memref_slice %arg5[%dma_wait3A_138] : memref<1024xi32, #tpu.memory_space<vmem>> -> memref<64xi32, #tpu.memory_space<vmem>>
    %dma_wait3A_140 = arith.constant 0 : i32
    %dma_wait3A_141 = arith.constant 0 : i32
    %dma_wait3A_142 = tpu.memref_slice %arg3[%dma_wait3A_140, %dma_wait3A_141] : memref<100000x768xf32, #tpu.memory_space<hbm>> -> memref<100000x768xf32, #tpu.memory_space<hbm>>
    tpu.wait_indirect_dma semaphore(%arg9 : memref<!tpu.dma_semaphore, #tpu.memory_space<semaphore_mem>>) src(%dma_wait3A_142 : memref<100000x768xf32, #tpu.memory_space<hbm>>) dst(%arg7 : memref<64x768xf32, #tpu.memory_space<vmem>>)
    %dma_wait3A_143 = arith.constant 0 : i32
    %dma_wait3A_144 = tpu.memref_slice %arg4[%add3A_113, %dma_wait3A_143] : memref<32768x768xf32, #tpu.memory_space<hbm>> -> memref<64x768xf32, #tpu.memory_space<hbm>>
    %dma_wait3A_145 = arith.constant 0 : i32
    %dma_wait3A_146 = tpu.memref_slice %arg4[%add3A_113, %dma_wait3A_145] : memref<32768x768xf32, #tpu.memory_space<hbm>> -> memref<64x768xf32, #tpu.memory_space<hbm>>
    tpu.wait_dma2 semaphore(%arg11 : memref<!tpu.dma_semaphore, #tpu.memory_space<semaphore_mem>>) src(%arg7 : memref<64x768xf32, #tpu.memory_space<vmem>>) dst(%dma_wait3A_146 : memref<64x768xf32, #tpu.memory_space<hbm>>)
    %dma_start3A_147 = arith.constant 512 : i32
    %dma_start3A_148 = tpu.memref_slice %arg5[%dma_start3A_147] : memref<1024xi32, #tpu.memory_space<vmem>> -> memref<64xi32, #tpu.memory_space<vmem>>
    %dma_start3A_149 = arith.constant 0 : i32
    %dma_start3A_150 = arith.constant 0 : i32
    %dma_start3A_151 = tpu.memref_slice %arg3[%dma_start3A_149, %dma_start3A_150] : memref<100000x768xf32, #tpu.memory_space<hbm>> -> memref<100000x768xf32, #tpu.memory_space<hbm>>
    tpu.enqueue_indirect_dma source(%dma_start3A_151 : memref<100000x768xf32, #tpu.memory_space<hbm>>) target(%arg6 : memref<64x768xf32, #tpu.memory_space<vmem>>) offsets(%dma_start3A_148 : memref<64xi32, #tpu.memory_space<vmem>>) semaphore(%arg8 : memref<!tpu.dma_semaphore, #tpu.memory_space<semaphore_mem>>)
    %add3A_152 = arith.constant 448 : i32
    %add3A_153 = arith.addi %mul3A_2, %add3A_152 : i32
    %dma_start3A_154 = arith.constant 0 : i32
    %dma_start3A_155 = tpu.memref_slice %arg4[%add3A_153, %dma_start3A_154] : memref<32768x768xf32, #tpu.memory_space<hbm>> -> memref<64x768xf32, #tpu.memory_space<hbm>>
    %dma_start3A_156 = arith.constant 0 : i32
    %dma_start3A_157 = tpu.memref_slice %arg4[%add3A_153, %dma_start3A_156] : memref<32768x768xf32, #tpu.memory_space<hbm>> -> memref<64x768xf32, #tpu.memory_space<hbm>>
    tpu.enqueue_dma source(%arg7 : memref<64x768xf32, #tpu.memory_space<vmem>>) target(%dma_start3A_157 : memref<64x768xf32, #tpu.memory_space<hbm>>) target_semaphore(%arg11 : memref<!tpu.dma_semaphore, #tpu.memory_space<semaphore_mem>>)
    %dma_wait3A_158 = arith.constant 512 : i32
    %dma_wait3A_159 = tpu.memref_slice %arg5[%dma_wait3A_158] : memref<1024xi32, #tpu.memory_space<vmem>> -> memref<64xi32, #tpu.memory_space<vmem>>
    %dma_wait3A_160 = arith.constant 0 : i32
    %dma_wait3A_161 = arith.constant 0 : i32
    %dma_wait3A_162 = tpu.memref_slice %arg3[%dma_wait3A_160, %dma_wait3A_161] : memref<100000x768xf32, #tpu.memory_space<hbm>> -> memref<100000x768xf32, #tpu.memory_space<hbm>>
    tpu.wait_indirect_dma semaphore(%arg8 : memref<!tpu.dma_semaphore, #tpu.memory_space<semaphore_mem>>) src(%dma_wait3A_162 : memref<100000x768xf32, #tpu.memory_space<hbm>>) dst(%arg6 : memref<64x768xf32, #tpu.memory_space<vmem>>)
    %dma_wait3A_163 = arith.constant 0 : i32
    %dma_wait3A_164 = tpu.memref_slice %arg4[%add3A_133, %dma_wait3A_163] : memref<32768x768xf32, #tpu.memory_space<hbm>> -> memref<64x768xf32, #tpu.memory_space<hbm>>
    %dma_wait3A_165 = arith.constant 0 : i32
    %dma_wait3A_166 = tpu.memref_slice %arg4[%add3A_133, %dma_wait3A_165] : memref<32768x768xf32, #tpu.memory_space<hbm>> -> memref<64x768xf32, #tpu.memory_space<hbm>>
    tpu.wait_dma2 semaphore(%arg10 : memref<!tpu.dma_semaphore, #tpu.memory_space<semaphore_mem>>) src(%arg6 : memref<64x768xf32, #tpu.memory_space<vmem>>) dst(%dma_wait3A_166 : memref<64x768xf32, #tpu.memory_space<hbm>>)
    %dma_start3A_167 = arith.constant 576 : i32
    %dma_start3A_168 = tpu.memref_slice %arg5[%dma_start3A_167] : memref<1024xi32, #tpu.memory_space<vmem>> -> memref<64xi32, #tpu.memory_space<vmem>>
    %dma_start3A_169 = arith.constant 0 : i32
    %dma_start3A_170 = arith.constant 0 : i32
    %dma_start3A_171 = tpu.memref_slice %arg3[%dma_start3A_169, %dma_start3A_170] : memref<100000x768xf32, #tpu.memory_space<hbm>> -> memref<100000x768xf32, #tpu.memory_space<hbm>>
    tpu.enqueue_indirect_dma source(%dma_start3A_171 : memref<100000x768xf32, #tpu.memory_space<hbm>>) target(%arg7 : memref<64x768xf32, #tpu.memory_space<vmem>>) offsets(%dma_start3A_168 : memref<64xi32, #tpu.memory_space<vmem>>) semaphore(%arg9 : memref<!tpu.dma_semaphore, #tpu.memory_space<semaphore_mem>>)
    %add3A_172 = arith.constant 512 : i32
    %add3A_173 = arith.addi %mul3A_2, %add3A_172 : i32
    %dma_start3A_174 = arith.constant 0 : i32
    %dma_start3A_175 = tpu.memref_slice %arg4[%add3A_173, %dma_start3A_174] : memref<32768x768xf32, #tpu.memory_space<hbm>> -> memref<64x768xf32, #tpu.memory_space<hbm>>
    %dma_start3A_176 = arith.constant 0 : i32
    %dma_start3A_177 = tpu.memref_slice %arg4[%add3A_173, %dma_start3A_176] : memref<32768x768xf32, #tpu.memory_space<hbm>> -> memref<64x768xf32, #tpu.memory_space<hbm>>
    tpu.enqueue_dma source(%arg6 : memref<64x768xf32, #tpu.memory_space<vmem>>) target(%dma_start3A_177 : memref<64x768xf32, #tpu.memory_space<hbm>>) target_semaphore(%arg10 : memref<!tpu.dma_semaphore, #tpu.memory_space<semaphore_mem>>)
    %dma_wait3A_178 = arith.constant 576 : i32
    %dma_wait3A_179 = tpu.memref_slice %arg5[%dma_wait3A_178] : memref<1024xi32, #tpu.memory_space<vmem>> -> memref<64xi32, #tpu.memory_space<vmem>>
    %dma_wait3A_180 = arith.constant 0 : i32
    %dma_wait3A_181 = arith.constant 0 : i32
    %dma_wait3A_182 = tpu.memref_slice %arg3[%dma_wait3A_180, %dma_wait3A_181] : memref<100000x768xf32, #tpu.memory_space<hbm>> -> memref<100000x768xf32, #tpu.memory_space<hbm>>
    tpu.wait_indirect_dma semaphore(%arg9 : memref<!tpu.dma_semaphore, #tpu.memory_space<semaphore_mem>>) src(%dma_wait3A_182 : memref<100000x768xf32, #tpu.memory_space<hbm>>) dst(%arg7 : memref<64x768xf32, #tpu.memory_space<vmem>>)
    %dma_wait3A_183 = arith.constant 0 : i32
    %dma_wait3A_184 = tpu.memref_slice %arg4[%add3A_153, %dma_wait3A_183] : memref<32768x768xf32, #tpu.memory_space<hbm>> -> memref<64x768xf32, #tpu.memory_space<hbm>>
    %dma_wait3A_185 = arith.constant 0 : i32
    %dma_wait3A_186 = tpu.memref_slice %arg4[%add3A_153, %dma_wait3A_185] : memref<32768x768xf32, #tpu.memory_space<hbm>> -> memref<64x768xf32, #tpu.memory_space<hbm>>
    tpu.wait_dma2 semaphore(%arg11 : memref<!tpu.dma_semaphore, #tpu.memory_space<semaphore_mem>>) src(%arg7 : memref<64x768xf32, #tpu.memory_space<vmem>>) dst(%dma_wait3A_186 : memref<64x768xf32, #tpu.memory_space<hbm>>)
    %dma_start3A_187 = arith.constant 640 : i32
    %dma_start3A_188 = tpu.memref_slice %arg5[%dma_start3A_187] : memref<1024xi32, #tpu.memory_space<vmem>> -> memref<64xi32, #tpu.memory_space<vmem>>
    %dma_start3A_189 = arith.constant 0 : i32
    %dma_start3A_190 = arith.constant 0 : i32
    %dma_start3A_191 = tpu.memref_slice %arg3[%dma_start3A_189, %dma_start3A_190] : memref<100000x768xf32, #tpu.memory_space<hbm>> -> memref<100000x768xf32, #tpu.memory_space<hbm>>
    tpu.enqueue_indirect_dma source(%dma_start3A_191 : memref<100000x768xf32, #tpu.memory_space<hbm>>) target(%arg6 : memref<64x768xf32, #tpu.memory_space<vmem>>) offsets(%dma_start3A_188 : memref<64xi32, #tpu.memory_space<vmem>>) semaphore(%arg8 : memref<!tpu.dma_semaphore, #tpu.memory_space<semaphore_mem>>)
    %add3A_192 = arith.constant 576 : i32
    %add3A_193 = arith.addi %mul3A_2, %add3A_192 : i32
    %dma_start3A_194 = arith.constant 0 : i32
    %dma_start3A_195 = tpu.memref_slice %arg4[%add3A_193, %dma_start3A_194] : memref<32768x768xf32, #tpu.memory_space<hbm>> -> memref<64x768xf32, #tpu.memory_space<hbm>>
    %dma_start3A_196 = arith.constant 0 : i32
    %dma_start3A_197 = tpu.memref_slice %arg4[%add3A_193, %dma_start3A_196] : memref<32768x768xf32, #tpu.memory_space<hbm>> -> memref<64x768xf32, #tpu.memory_space<hbm>>
    tpu.enqueue_dma source(%arg7 : memref<64x768xf32, #tpu.memory_space<vmem>>) target(%dma_start3A_197 : memref<64x768xf32, #tpu.memory_space<hbm>>) target_semaphore(%arg11 : memref<!tpu.dma_semaphore, #tpu.memory_space<semaphore_mem>>)
    %dma_wait3A_198 = arith.constant 640 : i32
    %dma_wait3A_199 = tpu.memref_slice %arg5[%dma_wait3A_198] : memref<1024xi32, #tpu.memory_space<vmem>> -> memref<64xi32, #tpu.memory_space<vmem>>
    %dma_wait3A_200 = arith.constant 0 : i32
    %dma_wait3A_201 = arith.constant 0 : i32
    %dma_wait3A_202 = tpu.memref_slice %arg3[%dma_wait3A_200, %dma_wait3A_201] : memref<100000x768xf32, #tpu.memory_space<hbm>> -> memref<100000x768xf32, #tpu.memory_space<hbm>>
    tpu.wait_indirect_dma semaphore(%arg8 : memref<!tpu.dma_semaphore, #tpu.memory_space<semaphore_mem>>) src(%dma_wait3A_202 : memref<100000x768xf32, #tpu.memory_space<hbm>>) dst(%arg6 : memref<64x768xf32, #tpu.memory_space<vmem>>)
    %dma_wait3A_203 = arith.constant 0 : i32
    %dma_wait3A_204 = tpu.memref_slice %arg4[%add3A_173, %dma_wait3A_203] : memref<32768x768xf32, #tpu.memory_space<hbm>> -> memref<64x768xf32, #tpu.memory_space<hbm>>
    %dma_wait3A_205 = arith.constant 0 : i32
    %dma_wait3A_206 = tpu.memref_slice %arg4[%add3A_173, %dma_wait3A_205] : memref<32768x768xf32, #tpu.memory_space<hbm>> -> memref<64x768xf32, #tpu.memory_space<hbm>>
    tpu.wait_dma2 semaphore(%arg10 : memref<!tpu.dma_semaphore, #tpu.memory_space<semaphore_mem>>) src(%arg6 : memref<64x768xf32, #tpu.memory_space<vmem>>) dst(%dma_wait3A_206 : memref<64x768xf32, #tpu.memory_space<hbm>>)
    %dma_start3A_207 = arith.constant 704 : i32
    %dma_start3A_208 = tpu.memref_slice %arg5[%dma_start3A_207] : memref<1024xi32, #tpu.memory_space<vmem>> -> memref<64xi32, #tpu.memory_space<vmem>>
    %dma_start3A_209 = arith.constant 0 : i32
    %dma_start3A_210 = arith.constant 0 : i32
    %dma_start3A_211 = tpu.memref_slice %arg3[%dma_start3A_209, %dma_start3A_210] : memref<100000x768xf32, #tpu.memory_space<hbm>> -> memref<100000x768xf32, #tpu.memory_space<hbm>>
    tpu.enqueue_indirect_dma source(%dma_start3A_211 : memref<100000x768xf32, #tpu.memory_space<hbm>>) target(%arg7 : memref<64x768xf32, #tpu.memory_space<vmem>>) offsets(%dma_start3A_208 : memref<64xi32, #tpu.memory_space<vmem>>) semaphore(%arg9 : memref<!tpu.dma_semaphore, #tpu.memory_space<semaphore_mem>>)
    %add3A_212 = arith.constant 640 : i32
    %add3A_213 = arith.addi %mul3A_2, %add3A_212 : i32
    %dma_start3A_214 = arith.constant 0 : i32
    %dma_start3A_215 = tpu.memref_slice %arg4[%add3A_213, %dma_start3A_214] : memref<32768x768xf32, #tpu.memory_space<hbm>> -> memref<64x768xf32, #tpu.memory_space<hbm>>
    %dma_start3A_216 = arith.constant 0 : i32
    %dma_start3A_217 = tpu.memref_slice %arg4[%add3A_213, %dma_start3A_216] : memref<32768x768xf32, #tpu.memory_space<hbm>> -> memref<64x768xf32, #tpu.memory_space<hbm>>
    tpu.enqueue_dma source(%arg6 : memref<64x768xf32, #tpu.memory_space<vmem>>) target(%dma_start3A_217 : memref<64x768xf32, #tpu.memory_space<hbm>>) target_semaphore(%arg10 : memref<!tpu.dma_semaphore, #tpu.memory_space<semaphore_mem>>)
    %dma_wait3A_218 = arith.constant 704 : i32
    %dma_wait3A_219 = tpu.memref_slice %arg5[%dma_wait3A_218] : memref<1024xi32, #tpu.memory_space<vmem>> -> memref<64xi32, #tpu.memory_space<vmem>>
    %dma_wait3A_220 = arith.constant 0 : i32
    %dma_wait3A_221 = arith.constant 0 : i32
    %dma_wait3A_222 = tpu.memref_slice %arg3[%dma_wait3A_220, %dma_wait3A_221] : memref<100000x768xf32, #tpu.memory_space<hbm>> -> memref<100000x768xf32, #tpu.memory_space<hbm>>
    tpu.wait_indirect_dma semaphore(%arg9 : memref<!tpu.dma_semaphore, #tpu.memory_space<semaphore_mem>>) src(%dma_wait3A_222 : memref<100000x768xf32, #tpu.memory_space<hbm>>) dst(%arg7 : memref<64x768xf32, #tpu.memory_space<vmem>>)
    %dma_wait3A_223 = arith.constant 0 : i32
    %dma_wait3A_224 = tpu.memref_slice %arg4[%add3A_193, %dma_wait3A_223] : memref<32768x768xf32, #tpu.memory_space<hbm>> -> memref<64x768xf32, #tpu.memory_space<hbm>>
    %dma_wait3A_225 = arith.constant 0 : i32
    %dma_wait3A_226 = tpu.memref_slice %arg4[%add3A_193, %dma_wait3A_225] : memref<32768x768xf32, #tpu.memory_space<hbm>> -> memref<64x768xf32, #tpu.memory_space<hbm>>
    tpu.wait_dma2 semaphore(%arg11 : memref<!tpu.dma_semaphore, #tpu.memory_space<semaphore_mem>>) src(%arg7 : memref<64x768xf32, #tpu.memory_space<vmem>>) dst(%dma_wait3A_226 : memref<64x768xf32, #tpu.memory_space<hbm>>)
    %dma_start3A_227 = arith.constant 768 : i32
    %dma_start3A_228 = tpu.memref_slice %arg5[%dma_start3A_227] : memref<1024xi32, #tpu.memory_space<vmem>> -> memref<64xi32, #tpu.memory_space<vmem>>
    %dma_start3A_229 = arith.constant 0 : i32
    %dma_start3A_230 = arith.constant 0 : i32
    %dma_start3A_231 = tpu.memref_slice %arg3[%dma_start3A_229, %dma_start3A_230] : memref<100000x768xf32, #tpu.memory_space<hbm>> -> memref<100000x768xf32, #tpu.memory_space<hbm>>
    tpu.enqueue_indirect_dma source(%dma_start3A_231 : memref<100000x768xf32, #tpu.memory_space<hbm>>) target(%arg6 : memref<64x768xf32, #tpu.memory_space<vmem>>) offsets(%dma_start3A_228 : memref<64xi32, #tpu.memory_space<vmem>>) semaphore(%arg8 : memref<!tpu.dma_semaphore, #tpu.memory_space<semaphore_mem>>)
    %add3A_232 = arith.constant 704 : i32
    %add3A_233 = arith.addi %mul3A_2, %add3A_232 : i32
    %dma_start3A_234 = arith.constant 0 : i32
    %dma_start3A_235 = tpu.memref_slice %arg4[%add3A_233, %dma_start3A_234] : memref<32768x768xf32, #tpu.memory_space<hbm>> -> memref<64x768xf32, #tpu.memory_space<hbm>>
    %dma_start3A_236 = arith.constant 0 : i32
    %dma_start3A_237 = tpu.memref_slice %arg4[%add3A_233, %dma_start3A_236] : memref<32768x768xf32, #tpu.memory_space<hbm>> -> memref<64x768xf32, #tpu.memory_space<hbm>>
    tpu.enqueue_dma source(%arg7 : memref<64x768xf32, #tpu.memory_space<vmem>>) target(%dma_start3A_237 : memref<64x768xf32, #tpu.memory_space<hbm>>) target_semaphore(%arg11 : memref<!tpu.dma_semaphore, #tpu.memory_space<semaphore_mem>>)
    %dma_wait3A_238 = arith.constant 768 : i32
    %dma_wait3A_239 = tpu.memref_slice %arg5[%dma_wait3A_238] : memref<1024xi32, #tpu.memory_space<vmem>> -> memref<64xi32, #tpu.memory_space<vmem>>
    %dma_wait3A_240 = arith.constant 0 : i32
    %dma_wait3A_241 = arith.constant 0 : i32
    %dma_wait3A_242 = tpu.memref_slice %arg3[%dma_wait3A_240, %dma_wait3A_241] : memref<100000x768xf32, #tpu.memory_space<hbm>> -> memref<100000x768xf32, #tpu.memory_space<hbm>>
    tpu.wait_indirect_dma semaphore(%arg8 : memref<!tpu.dma_semaphore, #tpu.memory_space<semaphore_mem>>) src(%dma_wait3A_242 : memref<100000x768xf32, #tpu.memory_space<hbm>>) dst(%arg6 : memref<64x768xf32, #tpu.memory_space<vmem>>)
    %dma_wait3A_243 = arith.constant 0 : i32
    %dma_wait3A_244 = tpu.memref_slice %arg4[%add3A_213, %dma_wait3A_243] : memref<32768x768xf32, #tpu.memory_space<hbm>> -> memref<64x768xf32, #tpu.memory_space<hbm>>
    %dma_wait3A_245 = arith.constant 0 : i32
    %dma_wait3A_246 = tpu.memref_slice %arg4[%add3A_213, %dma_wait3A_245] : memref<32768x768xf32, #tpu.memory_space<hbm>> -> memref<64x768xf32, #tpu.memory_space<hbm>>
    tpu.wait_dma2 semaphore(%arg10 : memref<!tpu.dma_semaphore, #tpu.memory_space<semaphore_mem>>) src(%arg6 : memref<64x768xf32, #tpu.memory_space<vmem>>) dst(%dma_wait3A_246 : memref<64x768xf32, #tpu.memory_space<hbm>>)
    %dma_start3A_247 = arith.constant 832 : i32
    %dma_start3A_248 = tpu.memref_slice %arg5[%dma_start3A_247] : memref<1024xi32, #tpu.memory_space<vmem>> -> memref<64xi32, #tpu.memory_space<vmem>>
    %dma_start3A_249 = arith.constant 0 : i32
    %dma_start3A_250 = arith.constant 0 : i32
    %dma_start3A_251 = tpu.memref_slice %arg3[%dma_start3A_249, %dma_start3A_250] : memref<100000x768xf32, #tpu.memory_space<hbm>> -> memref<100000x768xf32, #tpu.memory_space<hbm>>
    tpu.enqueue_indirect_dma source(%dma_start3A_251 : memref<100000x768xf32, #tpu.memory_space<hbm>>) target(%arg7 : memref<64x768xf32, #tpu.memory_space<vmem>>) offsets(%dma_start3A_248 : memref<64xi32, #tpu.memory_space<vmem>>) semaphore(%arg9 : memref<!tpu.dma_semaphore, #tpu.memory_space<semaphore_mem>>)
    %add3A_252 = arith.constant 768 : i32
    %add3A_253 = arith.addi %mul3A_2, %add3A_252 : i32
    %dma_start3A_254 = arith.constant 0 : i32
    %dma_start3A_255 = tpu.memref_slice %arg4[%add3A_253, %dma_start3A_254] : memref<32768x768xf32, #tpu.memory_space<hbm>> -> memref<64x768xf32, #tpu.memory_space<hbm>>
    %dma_start3A_256 = arith.constant 0 : i32
    %dma_start3A_257 = tpu.memref_slice %arg4[%add3A_253, %dma_start3A_256] : memref<32768x768xf32, #tpu.memory_space<hbm>> -> memref<64x768xf32, #tpu.memory_space<hbm>>
    tpu.enqueue_dma source(%arg6 : memref<64x768xf32, #tpu.memory_space<vmem>>) target(%dma_start3A_257 : memref<64x768xf32, #tpu.memory_space<hbm>>) target_semaphore(%arg10 : memref<!tpu.dma_semaphore, #tpu.memory_space<semaphore_mem>>)
    %dma_wait3A_258 = arith.constant 832 : i32
    %dma_wait3A_259 = tpu.memref_slice %arg5[%dma_wait3A_258] : memref<1024xi32, #tpu.memory_space<vmem>> -> memref<64xi32, #tpu.memory_space<vmem>>
    %dma_wait3A_260 = arith.constant 0 : i32
    %dma_wait3A_261 = arith.constant 0 : i32
    %dma_wait3A_262 = tpu.memref_slice %arg3[%dma_wait3A_260, %dma_wait3A_261] : memref<100000x768xf32, #tpu.memory_space<hbm>> -> memref<100000x768xf32, #tpu.memory_space<hbm>>
    tpu.wait_indirect_dma semaphore(%arg9 : memref<!tpu.dma_semaphore, #tpu.memory_space<semaphore_mem>>) src(%dma_wait3A_262 : memref<100000x768xf32, #tpu.memory_space<hbm>>) dst(%arg7 : memref<64x768xf32, #tpu.memory_space<vmem>>)
    %dma_wait3A_263 = arith.constant 0 : i32
    %dma_wait3A_264 = tpu.memref_slice %arg4[%add3A_233, %dma_wait3A_263] : memref<32768x768xf32, #tpu.memory_space<hbm>> -> memref<64x768xf32, #tpu.memory_space<hbm>>
    %dma_wait3A_265 = arith.constant 0 : i32
    %dma_wait3A_266 = tpu.memref_slice %arg4[%add3A_233, %dma_wait3A_265] : memref<32768x768xf32, #tpu.memory_space<hbm>> -> memref<64x768xf32, #tpu.memory_space<hbm>>
    tpu.wait_dma2 semaphore(%arg11 : memref<!tpu.dma_semaphore, #tpu.memory_space<semaphore_mem>>) src(%arg7 : memref<64x768xf32, #tpu.memory_space<vmem>>) dst(%dma_wait3A_266 : memref<64x768xf32, #tpu.memory_space<hbm>>)
    %dma_start3A_267 = arith.constant 896 : i32
    %dma_start3A_268 = tpu.memref_slice %arg5[%dma_start3A_267] : memref<1024xi32, #tpu.memory_space<vmem>> -> memref<64xi32, #tpu.memory_space<vmem>>
    %dma_start3A_269 = arith.constant 0 : i32
    %dma_start3A_270 = arith.constant 0 : i32
    %dma_start3A_271 = tpu.memref_slice %arg3[%dma_start3A_269, %dma_start3A_270] : memref<100000x768xf32, #tpu.memory_space<hbm>> -> memref<100000x768xf32, #tpu.memory_space<hbm>>
    tpu.enqueue_indirect_dma source(%dma_start3A_271 : memref<100000x768xf32, #tpu.memory_space<hbm>>) target(%arg6 : memref<64x768xf32, #tpu.memory_space<vmem>>) offsets(%dma_start3A_268 : memref<64xi32, #tpu.memory_space<vmem>>) semaphore(%arg8 : memref<!tpu.dma_semaphore, #tpu.memory_space<semaphore_mem>>)
    %add3A_272 = arith.constant 832 : i32
    %add3A_273 = arith.addi %mul3A_2, %add3A_272 : i32
    %dma_start3A_274 = arith.constant 0 : i32
    %dma_start3A_275 = tpu.memref_slice %arg4[%add3A_273, %dma_start3A_274] : memref<32768x768xf32, #tpu.memory_space<hbm>> -> memref<64x768xf32, #tpu.memory_space<hbm>>
    %dma_start3A_276 = arith.constant 0 : i32
    %dma_start3A_277 = tpu.memref_slice %arg4[%add3A_273, %dma_start3A_276] : memref<32768x768xf32, #tpu.memory_space<hbm>> -> memref<64x768xf32, #tpu.memory_space<hbm>>
    tpu.enqueue_dma source(%arg7 : memref<64x768xf32, #tpu.memory_space<vmem>>) target(%dma_start3A_277 : memref<64x768xf32, #tpu.memory_space<hbm>>) target_semaphore(%arg11 : memref<!tpu.dma_semaphore, #tpu.memory_space<semaphore_mem>>)
    %dma_wait3A_278 = arith.constant 896 : i32
    %dma_wait3A_279 = tpu.memref_slice %arg5[%dma_wait3A_278] : memref<1024xi32, #tpu.memory_space<vmem>> -> memref<64xi32, #tpu.memory_space<vmem>>
    %dma_wait3A_280 = arith.constant 0 : i32
    %dma_wait3A_281 = arith.constant 0 : i32
    %dma_wait3A_282 = tpu.memref_slice %arg3[%dma_wait3A_280, %dma_wait3A_281] : memref<100000x768xf32, #tpu.memory_space<hbm>> -> memref<100000x768xf32, #tpu.memory_space<hbm>>
    tpu.wait_indirect_dma semaphore(%arg8 : memref<!tpu.dma_semaphore, #tpu.memory_space<semaphore_mem>>) src(%dma_wait3A_282 : memref<100000x768xf32, #tpu.memory_space<hbm>>) dst(%arg6 : memref<64x768xf32, #tpu.memory_space<vmem>>)
    %dma_wait3A_283 = arith.constant 0 : i32
    %dma_wait3A_284 = tpu.memref_slice %arg4[%add3A_253, %dma_wait3A_283] : memref<32768x768xf32, #tpu.memory_space<hbm>> -> memref<64x768xf32, #tpu.memory_space<hbm>>
    %dma_wait3A_285 = arith.constant 0 : i32
    %dma_wait3A_286 = tpu.memref_slice %arg4[%add3A_253, %dma_wait3A_285] : memref<32768x768xf32, #tpu.memory_space<hbm>> -> memref<64x768xf32, #tpu.memory_space<hbm>>
    tpu.wait_dma2 semaphore(%arg10 : memref<!tpu.dma_semaphore, #tpu.memory_space<semaphore_mem>>) src(%arg6 : memref<64x768xf32, #tpu.memory_space<vmem>>) dst(%dma_wait3A_286 : memref<64x768xf32, #tpu.memory_space<hbm>>)
    %dma_start3A_287 = arith.constant 960 : i32
    %dma_start3A_288 = tpu.memref_slice %arg5[%dma_start3A_287] : memref<1024xi32, #tpu.memory_space<vmem>> -> memref<64xi32, #tpu.memory_space<vmem>>
    %dma_start3A_289 = arith.constant 0 : i32
    %dma_start3A_290 = arith.constant 0 : i32
    %dma_start3A_291 = tpu.memref_slice %arg3[%dma_start3A_289, %dma_start3A_290] : memref<100000x768xf32, #tpu.memory_space<hbm>> -> memref<100000x768xf32, #tpu.memory_space<hbm>>
    tpu.enqueue_indirect_dma source(%dma_start3A_291 : memref<100000x768xf32, #tpu.memory_space<hbm>>) target(%arg7 : memref<64x768xf32, #tpu.memory_space<vmem>>) offsets(%dma_start3A_288 : memref<64xi32, #tpu.memory_space<vmem>>) semaphore(%arg9 : memref<!tpu.dma_semaphore, #tpu.memory_space<semaphore_mem>>)
    %add3A_292 = arith.constant 896 : i32
    %add3A_293 = arith.addi %mul3A_2, %add3A_292 : i32
    %dma_start3A_294 = arith.constant 0 : i32
    %dma_start3A_295 = tpu.memref_slice %arg4[%add3A_293, %dma_start3A_294] : memref<32768x768xf32, #tpu.memory_space<hbm>> -> memref<64x768xf32, #tpu.memory_space<hbm>>
    %dma_start3A_296 = arith.constant 0 : i32
    %dma_start3A_297 = tpu.memref_slice %arg4[%add3A_293, %dma_start3A_296] : memref<32768x768xf32, #tpu.memory_space<hbm>> -> memref<64x768xf32, #tpu.memory_space<hbm>>
    tpu.enqueue_dma source(%arg6 : memref<64x768xf32, #tpu.memory_space<vmem>>) target(%dma_start3A_297 : memref<64x768xf32, #tpu.memory_space<hbm>>) target_semaphore(%arg10 : memref<!tpu.dma_semaphore, #tpu.memory_space<semaphore_mem>>)
    %dma_wait3A_298 = arith.constant 960 : i32
    %dma_wait3A_299 = tpu.memref_slice %arg5[%dma_wait3A_298] : memref<1024xi32, #tpu.memory_space<vmem>> -> memref<64xi32, #tpu.memory_space<vmem>>
    %dma_wait3A_300 = arith.constant 0 : i32
    %dma_wait3A_301 = arith.constant 0 : i32
    %dma_wait3A_302 = tpu.memref_slice %arg3[%dma_wait3A_300, %dma_wait3A_301] : memref<100000x768xf32, #tpu.memory_space<hbm>> -> memref<100000x768xf32, #tpu.memory_space<hbm>>
    tpu.wait_indirect_dma semaphore(%arg9 : memref<!tpu.dma_semaphore, #tpu.memory_space<semaphore_mem>>) src(%dma_wait3A_302 : memref<100000x768xf32, #tpu.memory_space<hbm>>) dst(%arg7 : memref<64x768xf32, #tpu.memory_space<vmem>>)
    %dma_wait3A_303 = arith.constant 0 : i32
    %dma_wait3A_304 = tpu.memref_slice %arg4[%add3A_273, %dma_wait3A_303] : memref<32768x768xf32, #tpu.memory_space<hbm>> -> memref<64x768xf32, #tpu.memory_space<hbm>>
    %dma_wait3A_305 = arith.constant 0 : i32
    %dma_wait3A_306 = tpu.memref_slice %arg4[%add3A_273, %dma_wait3A_305] : memref<32768x768xf32, #tpu.memory_space<hbm>> -> memref<64x768xf32, #tpu.memory_space<hbm>>
    tpu.wait_dma2 semaphore(%arg11 : memref<!tpu.dma_semaphore, #tpu.memory_space<semaphore_mem>>) src(%arg7 : memref<64x768xf32, #tpu.memory_space<vmem>>) dst(%dma_wait3A_306 : memref<64x768xf32, #tpu.memory_space<hbm>>)
    %add3A_307 = arith.constant 960 : i32
    %add3A_308 = arith.addi %mul3A_2, %add3A_307 : i32
    %dma_start3A_309 = arith.constant 0 : i32
    %dma_start3A_310 = tpu.memref_slice %arg4[%add3A_308, %dma_start3A_309] : memref<32768x768xf32, #tpu.memory_space<hbm>> -> memref<64x768xf32, #tpu.memory_space<hbm>>
    %dma_start3A_311 = arith.constant 0 : i32
    %dma_start3A_312 = tpu.memref_slice %arg4[%add3A_308, %dma_start3A_311] : memref<32768x768xf32, #tpu.memory_space<hbm>> -> memref<64x768xf32, #tpu.memory_space<hbm>>
    tpu.enqueue_dma source(%arg7 : memref<64x768xf32, #tpu.memory_space<vmem>>) target(%dma_start3A_312 : memref<64x768xf32, #tpu.memory_space<hbm>>) target_semaphore(%arg11 : memref<!tpu.dma_semaphore, #tpu.memory_space<semaphore_mem>>)
    %dma_wait3A_313 = arith.constant 0 : i32
    %dma_wait3A_314 = tpu.memref_slice %arg4[%add3A_293, %dma_wait3A_313] : memref<32768x768xf32, #tpu.memory_space<hbm>> -> memref<64x768xf32, #tpu.memory_space<hbm>>
    %dma_wait3A_315 = arith.constant 0 : i32
    %dma_wait3A_316 = tpu.memref_slice %arg4[%add3A_293, %dma_wait3A_315] : memref<32768x768xf32, #tpu.memory_space<hbm>> -> memref<64x768xf32, #tpu.memory_space<hbm>>
    tpu.wait_dma2 semaphore(%arg10 : memref<!tpu.dma_semaphore, #tpu.memory_space<semaphore_mem>>) src(%arg6 : memref<64x768xf32, #tpu.memory_space<vmem>>) dst(%dma_wait3A_316 : memref<64x768xf32, #tpu.memory_space<hbm>>)
    %dma_wait3A_317 = arith.constant 0 : i32
    %dma_wait3A_318 = tpu.memref_slice %arg4[%add3A_308, %dma_wait3A_317] : memref<32768x768xf32, #tpu.memory_space<hbm>> -> memref<64x768xf32, #tpu.memory_space<hbm>>
    %dma_wait3A_319 = arith.constant 0 : i32
    %dma_wait3A_320 = tpu.memref_slice %arg4[%add3A_308, %dma_wait3A_319] : memref<32768x768xf32, #tpu.memory_space<hbm>> -> memref<64x768xf32, #tpu.memory_space<hbm>>
    tpu.wait_dma2 semaphore(%arg11 : memref<!tpu.dma_semaphore, #tpu.memory_space<semaphore_mem>>) src(%arg7 : memref<64x768xf32, #tpu.memory_space<vmem>>) dst(%dma_wait3A_320 : memref<64x768xf32, #tpu.memory_space<hbm>>)
    return
  }
}

module attributes {stable_mosaic.version = 14 : i64} {
  func.func @_ln_tc(%arg0: i32, %arg1: i32, %arg2: memref<256x768xf32, #tpu.memory_space<vmem>>, %arg3: memref<256x768xf32, #tpu.memory_space<vmem>>, %arg4: memref<1x768xf32, #tpu.memory_space<vmem>>, %arg5: memref<1x768xf32, #tpu.memory_space<vmem>>, %arg6: memref<256x768xf32, #tpu.memory_space<vmem>>) attributes {dimension_semantics = [#tpu.dimension_semantics<arbitrary>, #tpu.dimension_semantics<arbitrary>], iteration_bounds = array<i64: 32, 4>, scalar_prefetch = 0 : i64, scratch_operands = 0 : i64, tpu.core_type = #tpu.core_type<tc>, window_params = [{transform_indices = @transform_0, window_bounds = array<i64: 256, 768>}, {transform_indices = @transform_1, window_bounds = array<i64: 256, 768>}, {pipeline_mode = #tpu.pipeline_mode<synchronous>, transform_indices = @transform_2, window_bounds = array<i64: 1, 768>}, {pipeline_mode = #tpu.pipeline_mode<synchronous>, transform_indices = @transform_3, window_bounds = array<i64: 1, 768>}, {transform_indices = @transform_4, window_bounds = array<i64: 256, 768>}]} {
    %get3A = arith.constant 0 : index
    %get3A_0 = arith.constant 0 : index
    %get3A_1 = vector.load %arg2[%get3A, %get3A_0] : memref<256x768xf32, #tpu.memory_space<vmem>>, vector<256x768xf32>
    %get3A_2 = arith.constant 0 : index
    %get3A_3 = arith.constant 0 : index
    %get3A_4 = vector.load %arg3[%get3A_2, %get3A_3] : memref<256x768xf32, #tpu.memory_space<vmem>>, vector<256x768xf32>
    %add3A = arith.addf %get3A_1, %get3A_4 : vector<256x768xf32>
    %reduce_sum3A = arith.constant dense<0.000000e+00> : vector<256xf32>
    %reduce_sum3A_5 = vector.multi_reduction <add>, %add3A, %reduce_sum3A [1] : vector<256x768xf32> to vector<256xf32>
    %broadcast_in_dim3A = vector.shape_cast %reduce_sum3A_5 : vector<256xf32> to vector<256x1xf32>
    %div3A = arith.constant 7.680000e+02 : f32
    %div3A_6 = vector.broadcast %div3A : f32 to vector<256x1xf32>
    %div3A_7 = arith.divf %broadcast_in_dim3A, %div3A_6 : vector<256x1xf32>
    %sub3A = vector.broadcast %div3A_7 : vector<256x1xf32> to vector<256x768xf32>
    %sub3A_8 = arith.subf %add3A, %sub3A : vector<256x768xf32>
    %mul3A = arith.mulf %sub3A_8, %sub3A_8 : vector<256x768xf32>
    %reduce_sum3A_9 = arith.constant dense<0.000000e+00> : vector<256xf32>
    %reduce_sum3A_10 = vector.multi_reduction <add>, %mul3A, %reduce_sum3A_9 [1] : vector<256x768xf32> to vector<256xf32>
    %broadcast_in_dim3A_11 = vector.shape_cast %reduce_sum3A_10 : vector<256xf32> to vector<256x1xf32>
    %div3A_12 = arith.constant 7.680000e+02 : f32
    %div3A_13 = vector.broadcast %div3A_12 : f32 to vector<256x1xf32>
    %div3A_14 = arith.divf %broadcast_in_dim3A_11, %div3A_13 : vector<256x1xf32>
    %add3A_15 = arith.constant 9.99999996E-13 : f32
    %add3A_16 = vector.broadcast %add3A_15 : f32 to vector<256x1xf32>
    %add3A_17 = arith.addf %div3A_14, %add3A_16 : vector<256x1xf32>
    %rsqrt3A = math.rsqrt %add3A_17 : vector<256x1xf32>
    %mul3A_18 = vector.broadcast %rsqrt3A : vector<256x1xf32> to vector<256x768xf32>
    %mul3A_19 = arith.mulf %sub3A_8, %mul3A_18 : vector<256x768xf32>
    %get3A_20 = arith.constant 0 : index
    %get3A_21 = arith.constant 0 : index
    %get3A_22 = vector.load %arg4[%get3A_20, %get3A_21] : memref<1x768xf32, #tpu.memory_space<vmem>>, vector<1x768xf32>
    %mul3A_23 = vector.broadcast %get3A_22 : vector<1x768xf32> to vector<256x768xf32>
    %mul3A_24 = arith.mulf %mul3A_19, %mul3A_23 : vector<256x768xf32>
    %get3A_25 = arith.constant 0 : index
    %get3A_26 = arith.constant 0 : index
    %get3A_27 = vector.load %arg5[%get3A_25, %get3A_26] : memref<1x768xf32, #tpu.memory_space<vmem>>, vector<1x768xf32>
    %add3A_28 = vector.broadcast %get3A_27 : vector<1x768xf32> to vector<256x768xf32>
    %add3A_29 = arith.addf %mul3A_24, %add3A_28 : vector<256x768xf32>
    %swap3A = arith.constant 0 : index
    %swap3A_30 = arith.constant 0 : index
    %swap3A_31 = vector.load %arg6[%swap3A, %swap3A_30] : memref<256x768xf32, #tpu.memory_space<vmem>>, vector<256x768xf32>
    tpu.vector_store %arg6[%swap3A, %swap3A_30], %add3A_29 {strides = array<i32>} : memref<256x768xf32, #tpu.memory_space<vmem>>, vector<256x768xf32>,
    return
  }
  func.func @transform_0(%arg0: i32, %arg1: i32) -> (i32, i32) {
    %mul3A = arith.constant 32 : i32
    %mul3A_0 = arith.muli %arg1, %mul3A : i32
    %add3A = arith.addi %mul3A_0, %arg0 : i32
    %c0_i32 = arith.constant 0 : i32
    %c0_i32_1 = arith.constant 0 : i32
    return %add3A, %c0_i32 : i32, i32
  }
  func.func @transform_1(%arg0: i32, %arg1: i32) -> (i32, i32) {
    %c0_i32 = arith.constant 0 : i32
    %c0_i32_0 = arith.constant 0 : i32
    return %arg0, %c0_i32 : i32, i32
  }
  func.func @transform_2(%arg0: i32, %arg1: i32) -> (i32, i32) {
    %c0_i32 = arith.constant 0 : i32
    %c0_i32_0 = arith.constant 0 : i32
    %c0_i32_1 = arith.constant 0 : i32
    return %c0_i32, %c0_i32_0 : i32, i32
  }
  func.func @transform_3(%arg0: i32, %arg1: i32) -> (i32, i32) {
    %c0_i32 = arith.constant 0 : i32
    %c0_i32_0 = arith.constant 0 : i32
    %c0_i32_1 = arith.constant 0 : i32
    return %c0_i32, %c0_i32_0 : i32, i32
  }
  func.func @transform_4(%arg0: i32, %arg1: i32) -> (i32, i32) {
    %mul3A = arith.constant 32 : i32
    %mul3A_0 = arith.muli %arg1, %mul3A : i32
    %add3A = arith.addi %mul3A_0, %arg0 : i32
    %c0_i32 = arith.constant 0 : i32
    %c0_i32_1 = arith.constant 0 : i32
    return %add3A, %c0_i32 : i32, i32
  }
}

</mosaic_0001>

<sc_bundles>
// kernel: _run.4.cloned.1.call-start
scs
__scs_entry_jumppad:
0x0: {  	(pc) =	sbr.rel $0x88, $3  }
0x1: {  	(tag) =	ssettag $0x0;
	lr =	simm.s32 $0x1  }
0x2: {  	[smem:$0x3F9C] =	sst lr;
	_ =	strace $0xD0000000  }
0x3: {  	_ = 	snop  }
0x4: {  	_ = 	snop  }
0x5: {  	_ = 	snop  }
0x6: {  	_ = 	snop  }
0x7: {  	_ = 	snop  }
__scs_overlays_trampoline_lowered:
0x8: {  	[smem:$0x3FAB] =	sst s0  }
0x9: {  	[smem:$0x3FAC] =	sst s1  }
0xa: {  	[smem:$0x3FAD] =	sst s2  }
0xb: {  	[smem:$0x3FAE] =	sst s3  }
0xc: {  	[smem:$0x3FAF] =	sst s4  }
0xd: {  	[smem:$0x3FB0] =	sst s5  }
0xe: {  	[smem:$0x3FB1] =	sst s6  }
0xf: {  	[smem:$0x3FB2] =	sst s7  }
0x10: {  	[smem:$0x3FB3] =	sst s8  }
0x11: {  	[smem:$0x3FB4] =	sst s9;
	s0 =	simm.s32 @!p0 $0x0  }
0x12: {  	s1 =	sld [smem:$0x3F9A];
	s0 =	simm.s32 @p0 $0x1  }
0x13: {  	[smem:$0x3FB5] =	sst s0;
	s0 =	simm.s32 @!p1 $0x0  }
0x14: {  	s2 =	sld [smem:$0x3F99];
	s0 =	simm.s32 @p1 $0x1  }
0x15: {  	[smem:$0x3FB6] =	sst s0;
	s0 =	simm.s32 @!p2 $0x0  }
0x16: {  	s3 =	sld [smem:$0x3FDB];
	s0 =	simm.s32 @p2 $0x1  }
0x17: {  	s4 =	simm.s32 $0x1BF5;
	[smem:$0x3FB8] =	sst s0  }
0x18: {  	s0 =	sld [smem:$0x3F9B];
	_ =	swait.ge [sflag:s4], $0x0  }
0x19: {  	s7 =	sld [smem:$0x3F9C]  }
0x1a: {  	s8 =	sadd.s32 $0xFFFFE003, lr  }
0x1b: {  	s9 =	sadd.s32 $0xFFFFFEF7, lr;
	s5 =	simm.s32 $0xFFFFFFFF;
	p2 =	slt.u32 s8, $0xFFFFF086  }
0x1c: {  	p1 =	slt.u32 s9, $0xF7A;
	s5 =	simm.s32 @!p2 $0x0  }
0x1d: {  	s5 =	simm.s32 @p1 $0x1;
	p0 =	seq.s32 s7, s2  }
0x1e: {  	s7 =	smul.u32 @!p0 $0xF7A, s2;
	p2 =	seq.s32 @!p0 s5, $0x0  }
0x1f: {  	s9 =	smul.u32 $0xF7A, s1;
	s8 =	simm.s32 @!p0 $0x1BF5;
	p2 =	por !p2, p0  }
0x20: {  	[sflag:s8] =	ssyncset.s32 @!p0 $0xFFFFF086;
	s6 =	sadd.s32 @!p0 s3, s7;
	s7 =	simm.s32 @!p0 $0x108  }
0x21: {  	s3 =	sadd.s32 s3, s9;
	s6 =	sadd.s32 @!p0 $0x88, s6;
	s7 =	simm.s32 @p2 $0x1082  }
0x22: {  	[simem:s7], [sflag:s8] =	dma.local @!p0 [hbm:s6], $0xF7A  }
0x23: {  	s9 =	sor.u32 $0xD0000000, s2;
	s6 =	simm.s32 $0x108;
	_ =	swait.ge @!p0 [sflag:s8], $0x0  }
0x24: {  	s3 =	sadd.s32 $0x88, s3;
	s6 =	simm.s32 @!p1 $0x1082;
	[sflag:s4] =	ssyncset.s32 $0xFFFFF086  }
0x25: {  	[simem:s6], [sflag:s4] =	dma.local [hbm:s3], $0xF7A  }
0x26: {  	[smem:$0x3F9C] =	sst s1;
	(tag) =	ssettag s2;
	_ =	strace s9  }
0x27: {  	s1 =	sld [smem:$0x3FAC]  }
0x28: {  	s2 =	sld [smem:$0x3FAD]  }
0x29: {  	s4 =	sld [smem:$0x3FAF]  }
0x2a: {  	p0 =	seq.s32 s5, $0x0;
	s5 =	sld [smem:$0x3FB0]  }
0x2b: {  	s6 =	sld [smem:$0x3FB1]  }
0x2c: {  	s7 =	sld [smem:$0x3FB2]  }
0x2d: {  	s3 =	simm.s32 $0x108;
	s8 =	sld [smem:$0x3FB3]  }
0x2e: {  	s3 =	simm.s32 @!p0 $0x1082;
	s9 =	sld [smem:$0x3FB4]  }
0x2f: {  	lr =	sadd.s32 s0, s3;
	s0 =	sld [smem:$0x3FAB]  }
0x30: {  	s3 =	sld [smem:$0x3FAE]  }
0x31: {  	[smem:$0x3FB7] =	sst s10  }
0x32: {  	s10 =	sld [smem:$0x3FB5];
	_ =	sdelay $0x3  }
0x33: {  	p0 =	seq.s32 s10, $0x1;
	s10 =	sld [smem:$0x3FB7];
	_ =	sdelay $0x3  }
0x34: {  	[smem:$0x3FB7] =	sst s10  }
0x35: {  	s10 =	sld [smem:$0x3FB6];
	_ =	sdelay $0x3  }
0x36: {  	p1 =	seq.s32 s10, $0x1;
	s10 =	sld [smem:$0x3FB7];
	_ =	sdelay $0x3  }
0x37: {  	[smem:$0x3FB7] =	sst s10  }
0x38: {  	s10 =	sld [smem:$0x3FB8]  }
0x39: {  	_ = 	snop;
	(pc) =	sbr.ind lr, $3  }
0x3a: {  	_ = 	snop  }
0x3b: {  	_ = 	snop  }
0x3c: {  	p2 =	seq.s32 s10, $0x1;
	s10 =	sld [smem:$0x3FB7]  }
0x3d: {  	_ =	shalt  }
0x3e: {  	_ =	shalt  }
0x3f: {  	_ =	shalt  }
0x40: {  	_ =	shalt  }
0x41: {  	_ =	shalt  }
0x42: {  	_ =	shalt  }
0x43: {  	_ =	shalt  }
0x44: {  	_ =	shalt  }
0x45: {  	_ =	shalt  }
0x46: {  	_ =	shalt  }
0x47: {  	_ =	shalt  }
0x48: {  	_ =	shalt  }
0x49: {  	_ =	shalt  }
0x4a: {  	_ =	shalt  }
0x4b: {  	_ =	shalt  }
0x4c: {  	_ =	shalt  }
0x4d: {  	_ =	shalt  }
0x4e: {  	_ =	shalt  }
0x4f: {  	_ =	shalt  }
0x50: {  	_ =	shalt  }
0x51: {  	_ =	shalt  }
0x52: {  	_ =	shalt  }
0x53: {  	_ =	shalt  }
0x54: {  	_ =	shalt  }
0x55: {  	_ =	shalt  }
0x56: {  	_ =	shalt  }
0x57: {  	_ =	shalt  }
0x58: {  	_ =	shalt  }
0x59: {  	_ =	shalt  }
0x5a: {  	_ =	shalt  }
0x5b: {  	_ =	shalt  }
0x5c: {  	_ =	shalt  }
0x5d: {  	_ =	shalt  }
0x5e: {  	_ =	shalt  }
0x5f: {  	_ =	shalt  }
0x60: {  	_ =	shalt  }
0x61: {  	_ =	shalt  }
0x62: {  	_ =	shalt  }
0x63: {  	_ =	shalt  }
0x64: {  	_ =	shalt  }
0x65: {  	_ =	shalt  }
0x66: {  	_ =	shalt  }
0x67: {  	_ =	shalt  }
0x68: {  	_ =	shalt  }
0x69: {  	_ =	shalt  }
0x6a: {  	_ =	shalt  }
0x6b: {  	_ =	shalt  }
0x6c: {  	_ =	shalt  }
0x6d: {  	_ =	shalt  }
0x6e: {  	_ =	shalt  }
0x6f: {  	_ =	shalt  }
0x70: {  	_ =	shalt  }
0x71: {  	_ =	shalt  }
0x72: {  	_ =	shalt  }
0x73: {  	_ =	shalt  }
0x74: {  	_ =	shalt  }
0x75: {  	_ =	shalt  }
0x76: {  	_ =	shalt  }
0x77: {  	_ =	shalt  }
0x78: {  	_ =	shalt  }
0x79: {  	_ =	shalt  }
0x7a: {  	_ =	shalt  }
0x7b: {  	_ =	shalt  }
0x7c: {  	_ =	shalt  }
0x7d: {  	_ =	shalt  }
0x7e: {  	_ =	shalt  }
0x7f: {  	_ =	shalt  }
0x80: {  	_ =	shalt  }
0x81: {  	_ =	shalt  }
0x82: {  	_ =	shalt  }
0x83: {  	_ =	shalt  }
0x84: {  	_ =	shalt  }
0x85: {  	_ =	shalt  }
0x86: {  	_ =	shalt  }
0x87: {  	_ =	shalt  }
.Lfunc_end0:
.L_simem_size_0:
called_computation_lowered:
.L_overlay_start_0:
0x88: {  	s2 =	sld [smem:$0x3FD9]  }
0x89: {  	s3 =	sld [smem:$0x3FFE];
	_ =	sdelay $0x1  }
0x8a: {  	s1 =	srdreg.scid  }
0x8b: {  	s0 =	sand.u32 $0x1, s1  }
0x8c: {  	s17 =	sshll.u32 s0, $0xA;
	s2 =	sadd.s32 s3, s2  }
0x8d: {  	s2 =	sadd.s32 s2, s17  }
0x8e: {  	[smem:$0x3FC3] =	sst s2  }
0x8f: {  	_ = 	snop  }
0x90: {  	s2 =	sld [smem:$0x3FC9]  }
0x91: {  	s18 =	sld [smem:$0x3FC8];
	(tm) =	ssettm $0x1  }
0x92: {  	s4 =	sld [smem:$0x3FFB];
	_ =	sdelay $0x3  }
0x93: {  	_ =	strace s4  }
0x94: {  	s4 =	sld [smem:$0x3FFC];
	_ =	sdelay $0x3  }
0x95: {  	_ =	strace s4  }
0x96: {  	s4 =	sld [smem:$0x3FFD];
	_ =	sdelay $0x3  }
0x97: {  	_ =	strace s4  }
0x98: {  	_ =	strace $0x8FFFFFFF  }
0x99: {  	s19 =	sld [smem:$0x3FDB];
	_ =	sdelay $0x1  }
0x9a: {  	s5 =	simm.s32 $_scs_section_size  }
0x9b: {  	s6 =	simm.s32 $_size__tile_overlayer_lowered;
	s7 =	simm.s32 $_tile_overlayer_lowered  }
0x9c: {  	s22 =	simm.s32 $0x1BFF;
	s21 =	sshll.u32 s7, $0x1;
	s4 =	sadd.s32 s5, s19  }
0x9d: {  	s8 =	simm.s32 $0x0;
	s20 =	sshll.u32 s6, $0x1;
	s6 =	sadd.s32 s21, s4  }
0x9e: {  	[timem:s8], [sflag:s22] =	dma.local [hbm:s6], s20  }
0x9f: {  	_ =	swait.ge [sflag:s22], s20  }
0xa0: {  	s5 =	ssub.s32 $0x0, s20;
	[sflag:s22] =	ssyncset.done $0x0  }
0xa1: {  	[sflag:s22] =	ssyncadd.s32 s5;
	_ =	sdelay $0x1  }
0xa2: {  	s23 =	simm.s32 $0x1B8B  }
0xa3: {  	_ =	swait.ge [sflag:s23], $0x1  }
0xa4: {  	[sflag:s23] =	ssyncset.done $0x0  }
0xa5: {  	s25 =	simm.s32 $0x1B8E;
	s24 =	sld [smem:$0x3FFE];
	[sflag:s23] =	ssyncadd.s32 $0xFFFFFFFF  }
0xa6: {  	s26 =	simm.s32 $execute0_lowered;
	[smem:$0x3FD2] =	sst s25  }
0xa7: {  	s6 =	sshll.u32 s26, $0x1;
	_ =	strace $0x80000046;
	[dreg:$0x1] =	wrdreg $0xFFFFFFFF  }
0xa8: {  	s28 =	simm.s32 $_size_execute0_lowered;
	s4 =	sadd.s32 s4, s6;
	[dreg:$0x0] =	wrdreg $0x0  }
0xa9: {  	s6 =	sshll.u32 s28, $0x1;
	[dreg:$0x2] =	wrdreg s4  }
0xaa: {  	[dreg:$0x3] =	wrdreg s6  }
0xab: {  	[dreg:$0x4] =	wrdreg $0xC0  }
0xac: {  	_ =	task [dreg:s8], $0x5FFFF  }
0xad: {  	[dreg:$0x1] =	wrdreg $0xFFFFFFFF  }
0xae: {  	[dreg:$0x0] =	wrdreg $0x60  }
0xaf: {  	[dreg:$0x2] =	wrdreg s2  }
0xb0: {  	[dreg:$0x3] =	wrdreg s18  }
0xb1: {  	[dreg:$0x4] =	wrdreg s24  }
0xb2: {  	[dreg:$0x5] =	wrdreg $0x9  }
0xb3: {  	_ =	task.clear_ibuf [dreg:s8], $0x6FFFF;
	_ =	strace $0x90000046  }
0xb4: {  	s29 =	simm.s32 $0x9;
	_ =	strace $0x80000048  }
0xb5: {  	_ =	swait.ge [sflag:s29], $0x1  }
0xb6: {  	[sflag:s29] =	ssyncadd.s32 $0xFFFFFFFF  }
0xb7: {  	_ =	strace $0x90000048  }
0xb8: {  	_ =	sfence  }
0xb9: {  	s30 =	sld [smem:$0x0];
	_ =	sdelay $0x2  }
0xba: {  	s31 =	sshll.u32 s1, $0xD;
	s1 =	sshrl.u32 s1, $0x2  }
0xbb: {  	s3 =	sand.u32 $0x4000, s31;
	s1 =	sadd.s32 s1, s30  }
0xbc: {  	s0 =	sor.u32 s3, s0;
	s1 =	sshll.u32 s1, $0x11  }
0xbd: {  	s0 =	sor.u32 s1, s0  }
0xbe: {  	s0 =	sadd.s32 $0x8F2B, s0  }
0xbf: {  	[sflag:s0] =	ssyncadd.remote.s32 $0x1  }
0xc0: {  	_ =	sfence.sel $0xFFFF  }
0xc1: {  	[dreg:$0x0] =	wrdreg $0xFFFFFFFF;
	(pc) =	sbr.abs _section_cstart, $3  }
0xc2: {  	[dreg:$0x1] =	wrdreg $0xFFFFFFFF  }
0xc3: {  	_ =	task.clear_ibuf [dreg:s8], $0x2FFFF;
	_ =	strace $0x9FFFFFFF  }
0xc4: {  	(tm) =	ssettm $0x7FFFFFFF  }
0xc5: {  	_ =	shalt  }
tec
execute0_lowered:
.L_overlay_start_1:
0x0: {  	(tag) =	ssettag $0x1  }
0x1: {  	s0 =	srdreg.scid  }
0x2: {  	s3 =	stileid.u32;
	s0 =	sand.u32 $0x1, s0  }
0x3: {  	s1 =	rddreg [dreg:$0x0];
	s3 =	sshll.u32 s3, $0x8;
	s4 =	sshll.u32 s0, $0x7  }
0x4: {  	s2 =	rddreg [dreg:$0x1];
	s4 =	sor.u32 s4, s3  }
0x5: {  	s5 =	rddreg [dreg:$0x2];
	s3 =	simm.s32 $0x0;
	s6 =	smul.u32 $0x300, s4  }
0x6: {  	s5 =	sadd.s32 $0x800, s5;
	[smem:$0x7FF] =	sst s3;
	s1 =	sadd.s32 s1, s4  }
0x7: {  	_ =	strace $0x80000047;
	[dreg:$0x4] =	wrdreg s1;
	s6 =	sadd.s32 s5, s6  }
0x8: {  	s15 =	sadd.s32 $0x1800, s6;
	[dreg:$0x14] =	wrdreg s6  }
0x9: {  	s4 =	smul.u32 $0x1800, s4;
	s16 =	sadd.s32 $0x3000, s6;
	[dreg:$0x5] =	wrdreg s15  }
0xa: {  	s17 =	sadd.s32 $0x4800, s6;
	[dreg:$0x6] =	wrdreg s16  }
0xb: {  	s4 =	sshrl.u32 s4, $0x3;
	s18 =	sadd.s32 $0x6000, s6;
	[dreg:$0x7] =	wrdreg s17  }
0xc: {  	s19 =	sadd.s32 $0x7800, s6;
	s4 =	sadd.s32 s5, s4;
	[dreg:$0x8] =	wrdreg s18  }
0xd: {  	[dreg:$0x9] =	wrdreg s19;
	s20 =	sadd.s32 $0x9000, s4  }
0xe: {  	s21 =	sadd.s32 $0xA800, s4;
	[dreg:$0xa] =	wrdreg s20  }
0xf: {  	s10 =	simm.s32 $0x2;
	s22 =	sadd.s32 $0xC000, s4;
	[dreg:$0xb] =	wrdreg s21  }
0x10: {  	s11 =	simm.s32 $0x3;
	s23 =	sadd.s32 $0xD800, s4;
	[dreg:$0xc] =	wrdreg s22  }
0x11: {  	s12 =	simm.s32 $0x4;
	s24 =	sadd.s32 $0xF000, s4;
	[dreg:$0xd] =	wrdreg s23  }
0x12: {  	s0 =	ssub.s32 $0x2, s0;
	s25 =	sadd.s32 $0x10800, s4;
	[dreg:$0xe] =	wrdreg s24  }
0x13: {  	s29 =	sshrl.u32 s0, $0x1;
	s26 =	sadd.s32 $0x12000, s4;
	[dreg:$0xf] =	wrdreg s25  }
0x14: {  	s0 =	ssub.s32 s0, s29;
	s28 =	sadd.s32 $0x13800, s4;
	[dreg:$0x10] =	wrdreg s26  }
0x15: {  	v2 =	vlaneseq.u32;
	s0 =	smax.u32 s0, $0x1;
	s30 =	sadd.s32 $0x15000, s4;
	[dreg:$0x11] =	wrdreg s28  }
0x16: {  	vm0 =	vmmov $0xffff;
	v1 =	vshrl.u32 v2, $0x3;
	s5 =	sadd.s32 $0x100, s2;
	s31 =	sadd.s32 $0x16800, s4;
	[dreg:$0x12] =	wrdreg s30  }
0x17: {  	v0 =	vand.u32 $0x7, v2;
	v2 =	vor.u32 $0x8, v2;
	v1 =	vmul.u32 $0x8, v1;
	s6 =	sadd.s32 $0x200, s2;
	s4 =	simm.s32 $0x1;
	[dreg:$0x13] =	wrdreg s31  }
.LBB2_1:
0x18: {  	[dreg:$0x15] =	wrdreg s0  }
0x19: {  	s13 =	rddreg [dreg:$0x4];
	s21 =	simm.s32 $0x5  }
0x1a: {  	[tilespmem:s3], [sflag:$0x5] =	stream.linear.gather [hbm4b:s13+s3], $0x400, $0x38;
	[tilespmem:$0x18400] =	vst v63  }
0x1b: {  	_ =	swait.ge [sflag:s21], $0x400  }
0x1c: {  	[sflag:s21] =	ssyncset.done $0x0  }
0x1d: {  	[sflag:s21] =	ssyncadd.s32 $0xFFFFFC00  }
0x1e: {  	v3 =	vld [tilespmem:$0x0];
	_ =	sdelay $0x4  }
0x1f: {  	v4 =	vshrl.u32 v3, $0x3  }
0x20: {  	v4 =	vmul.u32 $0x30, v4  }
0x21: {  	v3 =	vand.u32 $0x7, v3  }
0x22: {  	v3 =	vor.u32 v3, v4  }
0x23: {  	v4 =	vperm.xlane v3, v0;
	_ =	sdelay $0x1  }
0x24: {  	v4 =	vadd.s32 v1, v4;
	_ =	sdelay $0x3  }
0x25: {  	s22 =	simm.s32 $0x400;
	v3 =	vperm.xlane v3, v2  }
0x26: {  	[tilespmem:s22], [sflag:$0x1] =	stream.indirect_vreg.gather [hbm4b:s2+s3], $0x80, v4, vm0, $0xb8;
	[tilespmem:$0x18400] =	vst v63  }
0x27: {  	s23 =	simm.s32 $0xC00;
	v3 =	vadd.s32 v1, v3  }
0x28: {  	[tilespmem:s23], [sflag:$0x1] =	stream.indirect_vreg.gather [hbm4b:s5+s3], $0x80, v4, vm0, $0xb8;
	[tilespmem:$0x18400] =	vst v63  }
0x29: {  	s24 =	simm.s32 $0x1400  }
0x2a: {  	[tilespmem:s24], [sflag:$0x1] =	stream.indirect_vreg.gather [hbm4b:s6+s3], $0x80, v4, vm0, $0xb8;
	[tilespmem:$0x18400] =	vst v63  }
0x2b: {  	s25 =	simm.s32 $0x1C00  }
0x2c: {  	[tilespmem:s25], [sflag:$0x1] =	stream.indirect_vreg.gather [hbm4b:s2+s3], $0x80, v3, vm0, $0xb8;
	[tilespmem:$0x18400] =	vst v63  }
0x2d: {  	s26 =	simm.s32 $0x2400  }
0x2e: {  	[tilespmem:s26], [sflag:$0x1] =	stream.indirect_vreg.gather [hbm4b:s5+s3], $0x80, v3, vm0, $0xb8;
	[tilespmem:$0x18400] =	vst v63  }
0x2f: {  	s28 =	simm.s32 $0x2C00  }
0x30: {  	[tilespmem:s28], [sflag:$0x1] =	stream.indirect_vreg.gather [hbm4b:s6+s3], $0x80, v3, vm0, $0xb8;
	[tilespmem:$0x18400] =	vst v63  }
0x31: {  	v3 =	vld [tilespmem:$0x10];
	_ =	sdelay $0x4  }
0x32: {  	v57 =	vshrl.u32 v3, $0x3  }
0x33: {  	v4 =	vmul.u32 $0x30, v57  }
0x34: {  	v3 =	vand.u32 $0x7, v3  }
0x35: {  	v3 =	vor.u32 v3, v4  }
0x36: {  	v4 =	vperm.xlane v3, v0;
	_ =	sdelay $0x1  }
0x37: {  	v4 =	vadd.s32 v1, v4;
	_ =	sdelay $0x3  }
0x38: {  	s29 =	simm.s32 $0x3400;
	v3 =	vperm.xlane v3, v2  }
0x39: {  	[tilespmem:s29], [sflag:$0x1] =	stream.indirect_vreg.gather [hbm4b:s2+s3], $0x80, v4, vm0, $0xb8;
	[tilespmem:$0x18400] =	vst v63  }
0x3a: {  	s30 =	simm.s32 $0x3C00;
	v3 =	vadd.s32 v1, v3  }
0x3b: {  	[tilespmem:s30], [sflag:$0x1] =	stream.indirect_vreg.gather [hbm4b:s5+s3], $0x80, v4, vm0, $0xb8;
	[tilespmem:$0x18400] =	vst v63  }
0x3c: {  	s1 =	simm.s32 $0x4400  }
0x3d: {  	[tilespmem:s1], [sflag:$0x1] =	stream.indirect_vreg.gather [hbm4b:s6+s3], $0x80, v4, vm0, $0xb8;
	[tilespmem:$0x18400] =	vst v63  }
0x3e: {  	s7 =	simm.s32 $0x4C00  }
0x3f: {  	[tilespmem:s7], [sflag:$0x1] =	stream.indirect_vreg.gather [hbm4b:s2+s3], $0x80, v3, vm0, $0xb8;
	[tilespmem:$0x18400] =	vst v63  }
0x40: {  	s8 =	simm.s32 $0x5400  }
0x41: {  	[tilespmem:s8], [sflag:$0x1] =	stream.indirect_vreg.gather [hbm4b:s5+s3], $0x80, v3, vm0, $0xb8;
	[tilespmem:$0x18400] =	vst v63  }
0x42: {  	s13 =	simm.s32 $0x5C00  }
0x43: {  	[tilespmem:s13], [sflag:$0x1] =	stream.indirect_vreg.gather [hbm4b:s6+s3], $0x80, v3, vm0, $0xb8;
	[tilespmem:$0x18400] =	vst v63  }
0x44: {  	v3 =	vld [tilespmem:$0x20];
	_ =	sdelay $0x4  }
0x45: {  	v58 =	vshrl.u32 v3, $0x3  }
0x46: {  	v4 =	vmul.u32 $0x30, v58  }
0x47: {  	v3 =	vand.u32 $0x7, v3  }
0x48: {  	v3 =	vor.u32 v3, v4  }
0x49: {  	v4 =	vperm.xlane v3, v0;
	_ =	sdelay $0x1  }
0x4a: {  	v4 =	vadd.s32 v1, v4;
	_ =	sdelay $0x3  }
0x4b: {  	s16 =	simm.s32 $0x6400;
	v3 =	vperm.xlane v3, v2  }
0x4c: {  	[tilespmem:s16], [sflag:$0x1] =	stream.indirect_vreg.gather [hbm4b:s2+s3], $0x80, v4, vm0, $0xb8;
	[tilespmem:$0x18400] =	vst v63  }
0x4d: {  	s17 =	simm.s32 $0x6C00;
	v3 =	vadd.s32 v1, v3  }
0x4e: {  	[tilespmem:s17], [sflag:$0x1] =	stream.indirect_vreg.gather [hbm4b:s5+s3], $0x80, v4, vm0, $0xb8;
	[tilespmem:$0x18400] =	vst v63  }
0x4f: {  	s20 =	simm.s32 $0x7400  }
0x50: {  	[tilespmem:s20], [sflag:$0x1] =	stream.indirect_vreg.gather [hbm4b:s6+s3], $0x80, v4, vm0, $0xb8;
	[tilespmem:$0x18400] =	vst v63  }
0x51: {  	s21 =	simm.s32 $0x7C00  }
0x52: {  	[tilespmem:s21], [sflag:$0x1] =	stream.indirect_vreg.gather [hbm4b:s2+s3], $0x80, v3, vm0, $0xb8;
	[tilespmem:$0x18400] =	vst v63  }
0x53: {  	s24 =	simm.s32 $0x8400  }
0x54: {  	[tilespmem:s24], [sflag:$0x1] =	stream.indirect_vreg.gather [hbm4b:s5+s3], $0x80, v3, vm0, $0xb8;
	[tilespmem:$0x18400] =	vst v63  }
0x55: {  	s25 =	simm.s32 $0x8C00  }
0x56: {  	[tilespmem:s25], [sflag:$0x1] =	stream.indirect_vreg.gather [hbm4b:s6+s3], $0x80, v3, vm0, $0xb8;
	[tilespmem:$0x18400] =	vst v63  }
0x57: {  	v3 =	vld [tilespmem:$0x30];
	_ =	sdelay $0x4  }
0x58: {  	v59 =	vshrl.u32 v3, $0x3  }
0x59: {  	v4 =	vmul.u32 $0x30, v59  }
0x5a: {  	v3 =	vand.u32 $0x7, v3  }
0x5b: {  	v3 =	vor.u32 v3, v4  }
0x5c: {  	v4 =	vperm.xlane v3, v0;
	_ =	sdelay $0x1  }
0x5d: {  	v4 =	vadd.s32 v1, v4;
	_ =	sdelay $0x3  }
0x5e: {  	s1 =	simm.s32 $0x9400;
	v3 =	vperm.xlane v3, v2  }
0x5f: {  	[tilespmem:s1], [sflag:$0x1] =	stream.indirect_vreg.gather [hbm4b:s2+s3], $0x80, v4, vm0, $0xb8;
	[tilespmem:$0x18400] =	vst v63  }
0x60: {  	s13 =	simm.s32 $0x9C00;
	v3 =	vadd.s32 v1, v3  }
0x61: {  	[tilespmem:s13], [sflag:$0x1] =	stream.indirect_vreg.gather [hbm4b:s5+s3], $0x80, v4, vm0, $0xb8;
	[tilespmem:$0x18400] =	vst v63  }
0x62: {  	s16 =	simm.s32 $0xA400  }
0x63: {  	[tilespmem:s16], [sflag:$0x1] =	stream.indirect_vreg.gather [hbm4b:s6+s3], $0x80, v4, vm0, $0xb8;
	[tilespmem:$0x18400] =	vst v63  }
0x64: {  	s17 =	simm.s32 $0xAC00  }
0x65: {  	[tilespmem:s17], [sflag:$0x1] =	stream.indirect_vreg.gather [hbm4b:s2+s3], $0x80, v3, vm0, $0xb8;
	[tilespmem:$0x18400] =	vst v63  }
0x66: {  	s20 =	simm.s32 $0xB400  }
0x67: {  	[tilespmem:s20], [sflag:$0x1] =	stream.indirect_vreg.gather [hbm4b:s5+s3], $0x80, v3, vm0, $0xb8;
	[tilespmem:$0x18400] =	vst v63  }
0x68: {  	s21 =	simm.s32 $0xBC00  }
0x69: {  	[tilespmem:s21], [sflag:$0x1] =	stream.indirect_vreg.gather [hbm4b:s6+s3], $0x80, v3, vm0, $0xb8;
	[tilespmem:$0x18400] =	vst v63  }
0x6a: {  	_ =	swait.ge [sflag:s4], $0xC000  }
0x6b: {  	[sflag:s4] =	ssyncset.done $0x0  }
0x6c: {  	[sflag:s4] =	ssyncadd.s32 $0xFFFF4000  }
0x6d: {  	v3 =	vld [tilespmem:$0x40];
	_ =	sdelay $0x4  }
0x6e: {  	v60 =	vshrl.u32 v3, $0x3  }
0x6f: {  	v4 =	vmul.u32 $0x30, v60  }
0x70: {  	v3 =	vand.u32 $0x7, v3  }
0x71: {  	v3 =	vor.u32 v3, v4  }
0x72: {  	v4 =	vperm.xlane v3, v0;
	_ =	sdelay $0x1  }
0x73: {  	v4 =	vadd.s32 v1, v4;
	_ =	sdelay $0x3  }
0x74: {  	s24 =	simm.s32 $0xC400;
	v3 =	vperm.xlane v3, v2  }
0x75: {  	[tilespmem:s24], [sflag:$0x2] =	stream.indirect_vreg.gather [hbm4b:s2+s3], $0x80, v4, vm0, $0xb8;
	[tilespmem:$0x18400] =	vst v63  }
0x76: {  	s25 =	simm.s32 $0xCC00;
	v3 =	vadd.s32 v1, v3  }
0x77: {  	[tilespmem:s25], [sflag:$0x2] =	stream.indirect_vreg.gather [hbm4b:s5+s3], $0x80, v4, vm0, $0xb8;
	[tilespmem:$0x18400] =	vst v63  }
0x78: {  	s13 =	simm.s32 $0xD400  }
0x79: {  	[tilespmem:s13], [sflag:$0x2] =	stream.indirect_vreg.gather [hbm4b:s6+s3], $0x80, v4, vm0, $0xb8;
	[tilespmem:$0x18400] =	vst v63  }
0x7a: {  	s17 =	simm.s32 $0xDC00  }
0x7b: {  	[tilespmem:s17], [sflag:$0x2] =	stream.indirect_vreg.gather [hbm4b:s2+s3], $0x80, v3, vm0, $0xb8;
	[tilespmem:$0x18400] =	vst v63  }
0x7c: {  	s20 =	simm.s32 $0xE400  }
0x7d: {  	[tilespmem:s20], [sflag:$0x2] =	stream.indirect_vreg.gather [hbm4b:s5+s3], $0x80, v3, vm0, $0xb8;
	[tilespmem:$0x18400] =	vst v63  }
0x7e: {  	s21 =	simm.s32 $0xEC00  }
0x7f: {  	[tilespmem:s21], [sflag:$0x2] =	stream.indirect_vreg.gather [hbm4b:s6+s3], $0x80, v3, vm0, $0xb8;
	[tilespmem:$0x18400] =	vst v63  }
0x80: {  	v3 =	vld [tilespmem:$0x50];
	_ =	sdelay $0x4  }
0x81: {  	v61 =	vshrl.u32 v3, $0x3  }
0x82: {  	v4 =	vmul.u32 $0x30, v61  }
0x83: {  	v3 =	vand.u32 $0x7, v3  }
0x84: {  	v3 =	vor.u32 v3, v4  }
0x85: {  	v4 =	vperm.xlane v3, v0;
	_ =	sdelay $0x1  }
0x86: {  	v4 =	vadd.s32 v1, v4;
	_ =	sdelay $0x3  }
0x87: {  	s24 =	simm.s32 $0xF400;
	v3 =	vperm.xlane v3, v2  }
0x88: {  	[tilespmem:s24], [sflag:$0x2] =	stream.indirect_vreg.gather [hbm4b:s2+s3], $0x80, v4, vm0, $0xb8;
	[tilespmem:$0x18400] =	vst v63  }
0x89: {  	s25 =	simm.s32 $0xFC00;
	v3 =	vadd.s32 v1, v3  }
0x8a: {  	[tilespmem:s25], [sflag:$0x2] =	stream.indirect_vreg.gather [hbm4b:s5+s3], $0x80, v4, vm0, $0xb8;
	[tilespmem:$0x18400] =	vst v63  }
0x8b: {  	s13 =	simm.s32 $0x10400  }
0x8c: {  	[tilespmem:s13], [sflag:$0x2] =	stream.indirect_vreg.gather [hbm4b:s6+s3], $0x80, v4, vm0, $0xb8;
	[tilespmem:$0x18400] =	vst v63  }
0x8d: {  	s20 =	simm.s32 $0x10C00  }
0x8e: {  	[tilespmem:s20], [sflag:$0x2] =	stream.indirect_vreg.gather [hbm4b:s2+s3], $0x80, v3, vm0, $0xb8;
	[tilespmem:$0x18400] =	vst v63  }
0x8f: {  	s21 =	simm.s32 $0x11400  }
0x90: {  	[tilespmem:s21], [sflag:$0x2] =	stream.indirect_vreg.gather [hbm4b:s5+s3], $0x80, v3, vm0, $0xb8;
	[tilespmem:$0x18400] =	vst v63  }
0x91: {  	s24 =	simm.s32 $0x11C00  }
0x92: {  	[tilespmem:s24], [sflag:$0x2] =	stream.indirect_vreg.gather [hbm4b:s6+s3], $0x80, v3, vm0, $0xb8;
	[tilespmem:$0x18400] =	vst v63  }
0x93: {  	v3 =	vld [tilespmem:$0x60];
	_ =	sdelay $0x4  }
0x94: {  	v62 =	vshrl.u32 v3, $0x3  }
0x95: {  	v4 =	vmul.u32 $0x30, v62  }
0x96: {  	v3 =	vand.u32 $0x7, v3  }
0x97: {  	v3 =	vor.u32 v3, v4  }
0x98: {  	v4 =	vperm.xlane v3, v0;
	_ =	sdelay $0x1  }
0x99: {  	v4 =	vadd.s32 v1, v4;
	_ =	sdelay $0x3  }
0x9a: {  	s25 =	simm.s32 $0x12400;
	v3 =	vperm.xlane v3, v2  }
0x9b: {  	[tilespmem:s25], [sflag:$0x2] =	stream.indirect_vreg.gather [hbm4b:s2+s3], $0x80, v4, vm0, $0xb8;
	[tilespmem:$0x18400] =	vst v63  }
0x9c: {  	s13 =	simm.s32 $0x12C00;
	v3 =	vadd.s32 v1, v3  }
0x9d: {  	[tilespmem:s13], [sflag:$0x2] =	stream.indirect_vreg.gather [hbm4b:s5+s3], $0x80, v4, vm0, $0xb8;
	[tilespmem:$0x18400] =	vst v63  }
0x9e: {  	s24 =	simm.s32 $0x13400  }
0x9f: {  	[tilespmem:s24], [sflag:$0x2] =	stream.indirect_vreg.gather [hbm4b:s6+s3], $0x80, v4, vm0, $0xb8;
	[tilespmem:$0x18400] =	vst v63  }
0xa0: {  	s25 =	simm.s32 $0x13C00  }
0xa1: {  	[tilespmem:s25], [sflag:$0x2] =	stream.indirect_vreg.gather [hbm4b:s2+s3], $0x80, v3, vm0, $0xb8;
	[tilespmem:$0x18400] =	vst v63  }
0xa2: {  	s13 =	simm.s32 $0x14400  }
0xa3: {  	[tilespmem:s13], [sflag:$0x2] =	stream.indirect_vreg.gather [hbm4b:s5+s3], $0x80, v3, vm0, $0xb8;
	[tilespmem:$0x18400] =	vst v63  }
0xa4: {  	s24 =	simm.s32 $0x14C00  }
0xa5: {  	[tilespmem:s24], [sflag:$0x2] =	stream.indirect_vreg.gather [hbm4b:s6+s3], $0x80, v3, vm0, $0xb8;
	[tilespmem:$0x18400] =	vst v63  }
0xa6: {  	v3 =	vld [tilespmem:$0x70];
	_ =	sdelay $0x4  }
0xa7: {  	v63 =	vshrl.u32 v3, $0x3  }
0xa8: {  	v4 =	vmul.u32 $0x30, v63  }
0xa9: {  	v3 =	vand.u32 $0x7, v3  }
0xaa: {  	v3 =	vor.u32 v3, v4  }
0xab: {  	v4 =	vperm.xlane v3, v0;
	_ =	sdelay $0x1  }
0xac: {  	v4 =	vadd.s32 v1, v4;
	_ =	sdelay $0x3  }
0xad: {  	s25 =	simm.s32 $0x15400;
	v3 =	vperm.xlane v3, v2  }
0xae: {  	[tilespmem:s25], [sflag:$0x2] =	stream.indirect_vreg.gather [hbm4b:s2+s3], $0x80, v4, vm0, $0xb8;
	[tilespmem:$0x18400] =	vst v63  }
0xaf: {  	s13 =	simm.s32 $0x15C00;
	v3 =	vadd.s32 v1, v3  }
0xb0: {  	[tilespmem:s13], [sflag:$0x2] =	stream.indirect_vreg.gather [hbm4b:s5+s3], $0x80, v4, vm0, $0xb8;
	[tilespmem:$0x18400] =	vst v63  }
0xb1: {  	s13 =	simm.s32 $0x16400  }
0xb2: {  	[tilespmem:s13], [sflag:$0x2] =	stream.indirect_vreg.gather [hbm4b:s6+s3], $0x80, v4, vm0, $0xb8;
	[tilespmem:$0x18400] =	vst v63  }
0xb3: {  	s13 =	simm.s32 $0x16C00  }
0xb4: {  	[tilespmem:s13], [sflag:$0x2] =	stream.indirect_vreg.gather [hbm4b:s2+s3], $0x80, v3, vm0, $0xb8;
	[tilespmem:$0x18400] =	vst v63  }
0xb5: {  	s13 =	simm.s32 $0x17400  }
0xb6: {  	[tilespmem:s13], [sflag:$0x2] =	stream.indirect_vreg.gather [hbm4b:s5+s3], $0x80, v3, vm0, $0xb8;
	[tilespmem:$0x18400] =	vst v63  }
0xb7: {  	s0 =	simm.s32 $0x17C00  }
0xb8: {  	[tilespmem:s0], [sflag:$0x2] =	stream.indirect_vreg.gather [hbm4b:s6+s3], $0x80, v3, vm0, $0xb8;
	[tilespmem:$0x18400] =	vst v63  }
0xb9: {  	s13 =	rddreg [dreg:$0x14];
	s0 =	simm.s32 $0x400  }
0xba: {  	[hbm4b:s13+s3] =	stream.linear.scatter [tilespmem:s0], [sflag:$0x3], $0xC000, $0x38;
	[tilespmem:$0x18400] =	vst v63  }
0xbb: {  	_ =	swait.ge [sflag:s10], $0xC000  }
0xbc: {  	[sflag:s10] =	ssyncset.done $0x0  }
0xbd: {  	[sflag:s10] =	ssyncadd.s32 $0xFFFF4000  }
0xbe: {  	v3 =	vld [tilespmem:$0x80];
	_ =	sdelay $0x4  }
0xbf: {  	v8 =	vshrl.u32 v3, $0x3  }
0xc0: {  	v4 =	vmul.u32 $0x30, v8  }
0xc1: {  	v3 =	vand.u32 $0x7, v3  }
0xc2: {  	v3 =	vor.u32 v3, v4  }
0xc3: {  	v4 =	vperm.xlane v3, v0;
	_ =	sdelay $0x1  }
0xc4: {  	v4 =	vadd.s32 v1, v4;
	_ =	sdelay $0x3  }
0xc5: {  	v3 =	vperm.xlane v3, v2  }
0xc6: {  	[tilespmem:s0], [sflag:$0x1] =	stream.indirect_vreg.gather [hbm4b:s2+s3], $0x80, v4, vm0, $0xb8;
	[tilespmem:$0x18400] =	vst v63  }
0xc7: {  	s31 =	simm.s32 $0xC00;
	v3 =	vadd.s32 v1, v3  }
0xc8: {  	[tilespmem:s31], [sflag:$0x1] =	stream.indirect_vreg.gather [hbm4b:s5+s3], $0x80, v4, vm0, $0xb8;
	[tilespmem:$0x18400] =	vst v63  }
0xc9: {  	s14 =	simm.s32 $0x1400  }
0xca: {  	[tilespmem:s14], [sflag:$0x1] =	stream.indirect_vreg.gather [hbm4b:s6+s3], $0x80, v4, vm0, $0xb8;
	[tilespmem:$0x18400] =	vst v63  }
0xcb: {  	s15 =	simm.s32 $0x1C00  }
0xcc: {  	[tilespmem:s15], [sflag:$0x1] =	stream.indirect_vreg.gather [hbm4b:s2+s3], $0x80, v3, vm0, $0xb8;
	[tilespmem:$0x18400] =	vst v63  }
0xcd: {  	s18 =	simm.s32 $0x2400  }
0xce: {  	[tilespmem:s18], [sflag:$0x1] =	stream.indirect_vreg.gather [hbm4b:s5+s3], $0x80, v3, vm0, $0xb8;
	[tilespmem:$0x18400] =	vst v63  }
0xcf: {  	s9 =	simm.s32 $0x2C00  }
0xd0: {  	[tilespmem:s9], [sflag:$0x1] =	stream.indirect_vreg.gather [hbm4b:s6+s3], $0x80, v3, vm0, $0xb8;
	[tilespmem:$0x18400] =	vst v63  }
0xd1: {  	v3 =	vld [tilespmem:$0x90];
	_ =	sdelay $0x4  }
0xd2: {  	v9 =	vshrl.u32 v3, $0x3  }
0xd3: {  	v4 =	vmul.u32 $0x30, v9  }
0xd4: {  	v3 =	vand.u32 $0x7, v3  }
0xd5: {  	v3 =	vor.u32 v3, v4  }
0xd6: {  	v4 =	vperm.xlane v3, v0;
	_ =	sdelay $0x1  }
0xd7: {  	v4 =	vadd.s32 v1, v4;
	_ =	sdelay $0x3  }
0xd8: {  	s28 =	simm.s32 $0x3400;
	v3 =	vperm.xlane v3, v2  }
0xd9: {  	[tilespmem:s28], [sflag:$0x1] =	stream.indirect_vreg.gather [hbm4b:s2+s3], $0x80, v4, vm0, $0xb8;
	[tilespmem:$0x18400] =	vst v63  }
0xda: {  	s19 =	simm.s32 $0x3C00;
	v3 =	vadd.s32 v1, v3  }
0xdb: {  	[tilespmem:s19], [sflag:$0x1] =	stream.indirect_vreg.gather [hbm4b:s5+s3], $0x80, v4, vm0, $0xb8;
	[tilespmem:$0x18400] =	vst v63  }
0xdc: {  	s22 =	simm.s32 $0x4400  }
0xdd: {  	[tilespmem:s22], [sflag:$0x1] =	stream.indirect_vreg.gather [hbm4b:s6+s3], $0x80, v4, vm0, $0xb8;
	[tilespmem:$0x18400] =	vst v63  }
0xde: {  	s23 =	simm.s32 $0x4C00  }
0xdf: {  	[tilespmem:s23], [sflag:$0x1] =	stream.indirect_vreg.gather [hbm4b:s2+s3], $0x80, v3, vm0, $0xb8;
	[tilespmem:$0x18400] =	vst v63  }
0xe0: {  	s26 =	simm.s32 $0x5400  }
0xe1: {  	[tilespmem:s26], [sflag:$0x1] =	stream.indirect_vreg.gather [hbm4b:s5+s3], $0x80, v3, vm0, $0xb8;
	[tilespmem:$0x18400] =	vst v63  }
0xe2: {  	s29 =	simm.s32 $0x5C00  }
0xe3: {  	[tilespmem:s29], [sflag:$0x1] =	stream.indirect_vreg.gather [hbm4b:s6+s3], $0x80, v3, vm0, $0xb8;
	[tilespmem:$0x18400] =	vst v63  }
0xe4: {  	v3 =	vld [tilespmem:$0xA0];
	_ =	sdelay $0x4  }
0xe5: {  	v10 =	vshrl.u32 v3, $0x3  }
0xe6: {  	v4 =	vmul.u32 $0x30, v10  }
0xe7: {  	v3 =	vand.u32 $0x7, v3  }
0xe8: {  	v3 =	vor.u32 v3, v4  }
0xe9: {  	v4 =	vperm.xlane v3, v0;
	_ =	sdelay $0x1  }
0xea: {  	v4 =	vadd.s32 v1, v4;
	_ =	sdelay $0x3  }
0xeb: {  	s30 =	simm.s32 $0x6400;
	v3 =	vperm.xlane v3, v2  }
0xec: {  	[tilespmem:s30], [sflag:$0x1] =	stream.indirect_vreg.gather [hbm4b:s2+s3], $0x80, v4, vm0, $0xb8;
	[tilespmem:$0x18400] =	vst v63  }
0xed: {  	s29 =	simm.s32 $0x6C00;
	v3 =	vadd.s32 v1, v3  }
0xee: {  	[tilespmem:s29], [sflag:$0x1] =	stream.indirect_vreg.gather [hbm4b:s5+s3], $0x80, v4, vm0, $0xb8;
	[tilespmem:$0x18400] =	vst v63  }
0xef: {  	s30 =	simm.s32 $0x7400  }
0xf0: {  	[tilespmem:s30], [sflag:$0x1] =	stream.indirect_vreg.gather [hbm4b:s6+s3], $0x80, v4, vm0, $0xb8;
	[tilespmem:$0x18400] =	vst v63  }
0xf1: {  	s31 =	simm.s32 $0x7C00  }
0xf2: {  	[tilespmem:s31], [sflag:$0x1] =	stream.indirect_vreg.gather [hbm4b:s2+s3], $0x80, v3, vm0, $0xb8;
	[tilespmem:$0x18400] =	vst v63  }
0xf3: {  	s8 =	simm.s32 $0x8400  }
0xf4: {  	[tilespmem:s8], [sflag:$0x1] =	stream.indirect_vreg.gather [hbm4b:s5+s3], $0x80, v3, vm0, $0xb8;
	[tilespmem:$0x18400] =	vst v63  }
0xf5: {  	s7 =	simm.s32 $0x8C00  }
0xf6: {  	[tilespmem:s7], [sflag:$0x1] =	stream.indirect_vreg.gather [hbm4b:s6+s3], $0x80, v3, vm0, $0xb8;
	[tilespmem:$0x18400] =	vst v63  }
0xf7: {  	v3 =	vld [tilespmem:$0xB0];
	_ =	sdelay $0x4  }
0xf8: {  	v11 =	vshrl.u32 v3, $0x3  }
0xf9: {  	v4 =	vmul.u32 $0x30, v11  }
0xfa: {  	v3 =	vand.u32 $0x7, v3  }
0xfb: {  	v3 =	vor.u32 v3, v4  }
0xfc: {  	v4 =	vperm.xlane v3, v0;
	_ =	sdelay $0x1  }
0xfd: {  	v4 =	vadd.s32 v1, v4;
	_ =	sdelay $0x3  }
0xfe: {  	s1 =	simm.s32 $0x9400;
	v3 =	vperm.xlane v3, v2  }
0xff: {  	[tilespmem:s1], [sflag:$0x1] =	stream.indirect_vreg.gather [hbm4b:s2+s3], $0x80, v4, vm0, $0xb8;
	[tilespmem:$0x18400] =	vst v63  }
0x100: {  	s23 =	simm.s32 $0x9C00;
	v3 =	vadd.s32 v1, v3  }
0x101: {  	[tilespmem:s23], [sflag:$0x1] =	stream.indirect_vreg.gather [hbm4b:s5+s3], $0x80, v4, vm0, $0xb8;
	[tilespmem:$0x18400] =	vst v63  }
0x102: {  	s9 =	simm.s32 $0xA400  }
0x103: {  	[tilespmem:s9], [sflag:$0x1] =	stream.indirect_vreg.gather [hbm4b:s6+s3], $0x80, v4, vm0, $0xb8;
	[tilespmem:$0x18400] =	vst v63  }
0x104: {  	s28 =	simm.s32 $0xAC00  }
0x105: {  	[tilespmem:s28], [sflag:$0x1] =	stream.indirect_vreg.gather [hbm4b:s2+s3], $0x80, v3, vm0, $0xb8;
	[tilespmem:$0x18400] =	vst v63  }
0x106: {  	s26 =	simm.s32 $0xB400  }
0x107: {  	[tilespmem:s26], [sflag:$0x1] =	stream.indirect_vreg.gather [hbm4b:s5+s3], $0x80, v3, vm0, $0xb8;
	[tilespmem:$0x18400] =	vst v63  }
0x108: {  	s16 =	simm.s32 $0xBC00  }
0x109: {  	[tilespmem:s16], [sflag:$0x1] =	stream.indirect_vreg.gather [hbm4b:s6+s3], $0x80, v3, vm0, $0xb8;
	[tilespmem:$0x18400] =	vst v63  }
0x10a: {  	s7 =	simm.s32 $0xC400;
	s1 =	rddreg [dreg:$0x5]  }
0x10b: {  	[hbm4b:s1+s3] =	stream.linear.scatter [tilespmem:s7], [sflag:$0x4], $0xC000, $0x38;
	[tilespmem:$0x18400] =	vst v63  }
0x10c: {  	_ =	swait.ge [sflag:s4], $0xC000  }
0x10d: {  	[sflag:s4] =	ssyncset.done $0x0  }
0x10e: {  	[sflag:s4] =	ssyncadd.s32 $0xFFFF4000  }
0x10f: {  	_ =	swait.ge [sflag:s11], $0xC000  }
0x110: {  	[sflag:s11] =	ssyncset.done $0x0  }
0x111: {  	[sflag:s11] =	ssyncadd.s32 $0xFFFF4000  }
0x112: {  	v3 =	vld [tilespmem:$0xC0];
	_ =	sdelay $0x4  }
0x113: {  	v12 =	vshrl.u32 v3, $0x3  }
0x114: {  	v4 =	vmul.u32 $0x30, v12  }
0x115: {  	v3 =	vand.u32 $0x7, v3  }
0x116: {  	v3 =	vor.u32 v3, v4  }
0x117: {  	v4 =	vperm.xlane v3, v0;
	_ =	sdelay $0x1  }
0x118: {  	v4 =	vadd.s32 v1, v4;
	_ =	sdelay $0x3  }
0x119: {  	v3 =	vperm.xlane v3, v2  }
0x11a: {  	[tilespmem:s7], [sflag:$0x2] =	stream.indirect_vreg.gather [hbm4b:s2+s3], $0x80, v4, vm0, $0xb8;
	[tilespmem:$0x18400] =	vst v63  }
0x11b: {  	v3 =	vadd.s32 v1, v3;
	s7 =	simm.s32 $0xCC00  }
0x11c: {  	[tilespmem:s7], [sflag:$0x2] =	stream.indirect_vreg.gather [hbm4b:s5+s3], $0x80, v4, vm0, $0xb8;
	[tilespmem:$0x18400] =	vst v63  }
0x11d: {  	s1 =	simm.s32 $0xD400  }
0x11e: {  	[tilespmem:s1], [sflag:$0x2] =	stream.indirect_vreg.gather [hbm4b:s6+s3], $0x80, v4, vm0, $0xb8;
	[tilespmem:$0x18400] =	vst v63  }
0x11f: {  	s14 =	simm.s32 $0xDC00  }
0x120: {  	[tilespmem:s14], [sflag:$0x2] =	stream.indirect_vreg.gather [hbm4b:s2+s3], $0x80, v3, vm0, $0xb8;
	[tilespmem:$0x18400] =	vst v63  }
0x121: {  	s15 =	simm.s32 $0xE400  }
0x122: {  	[tilespmem:s15], [sflag:$0x2] =	stream.indirect_vreg.gather [hbm4b:s5+s3], $0x80, v3, vm0, $0xb8;
	[tilespmem:$0x18400] =	vst v63  }
0x123: {  	s8 =	simm.s32 $0xEC00  }
0x124: {  	[tilespmem:s8], [sflag:$0x2] =	stream.indirect_vreg.gather [hbm4b:s6+s3], $0x80, v3, vm0, $0xb8;
	[tilespmem:$0x18400] =	vst v63  }
0x125: {  	v3 =	vld [tilespmem:$0xD0];
	_ =	sdelay $0x4  }
0x126: {  	v13 =	vshrl.u32 v3, $0x3  }
0x127: {  	v4 =	vmul.u32 $0x30, v13  }
0x128: {  	v3 =	vand.u32 $0x7, v3  }
0x129: {  	v3 =	vor.u32 v3, v4  }
0x12a: {  	v4 =	vperm.xlane v3, v0;
	_ =	sdelay $0x1  }
0x12b: {  	v4 =	vadd.s32 v1, v4;
	_ =	sdelay $0x3  }
0x12c: {  	s17 =	simm.s32 $0xF400;
	v3 =	vperm.xlane v3, v2  }
0x12d: {  	[tilespmem:s17], [sflag:$0x2] =	stream.indirect_vreg.gather [hbm4b:s2+s3], $0x80, v4, vm0, $0xb8;
	[tilespmem:$0x18400] =	vst v63  }
0x12e: {  	s16 =	simm.s32 $0xFC00;
	v3 =	vadd.s32 v1, v3  }
0x12f: {  	[tilespmem:s16], [sflag:$0x2] =	stream.indirect_vreg.gather [hbm4b:s5+s3], $0x80, v4, vm0, $0xb8;
	[tilespmem:$0x18400] =	vst v63  }
0x130: {  	s17 =	simm.s32 $0x10400  }
0x131: {  	[tilespmem:s17], [sflag:$0x2] =	stream.indirect_vreg.gather [hbm4b:s6+s3], $0x80, v4, vm0, $0xb8;
	[tilespmem:$0x18400] =	vst v63  }
0x132: {  	s18 =	simm.s32 $0x10C00  }
0x133: {  	[tilespmem:s18], [sflag:$0x2] =	stream.indirect_vreg.gather [hbm4b:s2+s3], $0x80, v3, vm0, $0xb8;
	[tilespmem:$0x18400] =	vst v63  }
0x134: {  	s19 =	simm.s32 $0x11400  }
0x135: {  	[tilespmem:s19], [sflag:$0x2] =	stream.indirect_vreg.gather [hbm4b:s5+s3], $0x80, v3, vm0, $0xb8;
	[tilespmem:$0x18400] =	vst v63  }
0x136: {  	s20 =	simm.s32 $0x11C00  }
0x137: {  	[tilespmem:s20], [sflag:$0x2] =	stream.indirect_vreg.gather [hbm4b:s6+s3], $0x80, v3, vm0, $0xb8;
	[tilespmem:$0x18400] =	vst v63  }
0x138: {  	v3 =	vld [tilespmem:$0xE0];
	_ =	sdelay $0x4  }
0x139: {  	v14 =	vshrl.u32 v3, $0x3  }
0x13a: {  	v4 =	vmul.u32 $0x30, v14  }
0x13b: {  	v3 =	vand.u32 $0x7, v3  }
0x13c: {  	v3 =	vor.u32 v3, v4  }
0x13d: {  	v4 =	vperm.xlane v3, v0;
	_ =	sdelay $0x1  }
0x13e: {  	v4 =	vadd.s32 v1, v4;
	_ =	sdelay $0x3  }
0x13f: {  	s21 =	simm.s32 $0x12400;
	v3 =	vperm.xlane v3, v2  }
0x140: {  	[tilespmem:s21], [sflag:$0x2] =	stream.indirect_vreg.gather [hbm4b:s2+s3], $0x80, v4, vm0, $0xb8;
	[tilespmem:$0x18400] =	vst v63  }
0x141: {  	s20 =	simm.s32 $0x12C00;
	v3 =	vadd.s32 v1, v3  }
0x142: {  	[tilespmem:s20], [sflag:$0x2] =	stream.indirect_vreg.gather [hbm4b:s5+s3], $0x80, v4, vm0, $0xb8;
	[tilespmem:$0x18400] =	vst v63  }
0x143: {  	s21 =	simm.s32 $0x13400  }
0x144: {  	[tilespmem:s21], [sflag:$0x2] =	stream.indirect_vreg.gather [hbm4b:s6+s3], $0x80, v4, vm0, $0xb8;
	[tilespmem:$0x18400] =	vst v63  }
0x145: {  	s22 =	simm.s32 $0x13C00  }
0x146: {  	[tilespmem:s22], [sflag:$0x2] =	stream.indirect_vreg.gather [hbm4b:s2+s3], $0x80, v3, vm0, $0xb8;
	[tilespmem:$0x18400] =	vst v63  }
0x147: {  	s23 =	simm.s32 $0x14400  }
0x148: {  	[tilespmem:s23], [sflag:$0x2] =	stream.indirect_vreg.gather [hbm4b:s5+s3], $0x80, v3, vm0, $0xb8;
	[tilespmem:$0x18400] =	vst v63  }
0x149: {  	s24 =	simm.s32 $0x14C00  }
0x14a: {  	[tilespmem:s24], [sflag:$0x2] =	stream.indirect_vreg.gather [hbm4b:s6+s3], $0x80, v3, vm0, $0xb8;
	[tilespmem:$0x18400] =	vst v63  }
0x14b: {  	v3 =	vld [tilespmem:$0xF0];
	_ =	sdelay $0x4  }
0x14c: {  	v15 =	vshrl.u32 v3, $0x3  }
0x14d: {  	v4 =	vmul.u32 $0x30, v15  }
0x14e: {  	v3 =	vand.u32 $0x7, v3  }
0x14f: {  	v3 =	vor.u32 v3, v4  }
0x150: {  	v4 =	vperm.xlane v3, v0;
	_ =	sdelay $0x1  }
0x151: {  	v4 =	vadd.s32 v1, v4;
	_ =	sdelay $0x3  }
0x152: {  	s25 =	simm.s32 $0x15400;
	v3 =	vperm.xlane v3, v2  }
0x153: {  	[tilespmem:s25], [sflag:$0x2] =	stream.indirect_vreg.gather [hbm4b:s2+s3], $0x80, v4, vm0, $0xb8;
	[tilespmem:$0x18400] =	vst v63  }
0x154: {  	s24 =	simm.s32 $0x15C00;
	v3 =	vadd.s32 v1, v3  }
0x155: {  	[tilespmem:s24], [sflag:$0x2] =	stream.indirect_vreg.gather [hbm4b:s5+s3], $0x80, v4, vm0, $0xb8;
	[tilespmem:$0x18400] =	vst v63  }
0x156: {  	s25 =	simm.s32 $0x16400  }
0x157: {  	[tilespmem:s25], [sflag:$0x2] =	stream.indirect_vreg.gather [hbm4b:s6+s3], $0x80, v4, vm0, $0xb8;
	[tilespmem:$0x18400] =	vst v63  }
0x158: {  	s26 =	simm.s32 $0x16C00  }
0x159: {  	[tilespmem:s26], [sflag:$0x2] =	stream.indirect_vreg.gather [hbm4b:s2+s3], $0x80, v3, vm0, $0xb8;
	[tilespmem:$0x18400] =	vst v63  }
0x15a: {  	s13 =	simm.s32 $0x17400  }
0x15b: {  	[tilespmem:s13], [sflag:$0x2] =	stream.indirect_vreg.gather [hbm4b:s5+s3], $0x80, v3, vm0, $0xb8;
	[tilespmem:$0x18400] =	vst v63  }
0x15c: {  	s8 =	simm.s32 $0x17C00  }
0x15d: {  	[tilespmem:s8], [sflag:$0x2] =	stream.indirect_vreg.gather [hbm4b:s6+s3], $0x80, v3, vm0, $0xb8;
	[tilespmem:$0x18400] =	vst v63  }
0x15e: {  	s13 =	rddreg [dreg:$0x6];
	s8 =	simm.s32 $0x400  }
0x15f: {  	[hbm4b:s13+s3] =	stream.linear.scatter [tilespmem:s8], [sflag:$0x3], $0xC000, $0x38;
	[tilespmem:$0x18400] =	vst v63  }
0x160: {  	_ =	swait.ge [sflag:s10], $0xC000  }
0x161: {  	[sflag:s10] =	ssyncset.done $0x0  }
0x162: {  	[sflag:s10] =	ssyncadd.s32 $0xFFFF4000  }
0x163: {  	_ =	swait.ge [sflag:s12], $0xC000  }
0x164: {  	[sflag:s12] =	ssyncset.done $0x0  }
0x165: {  	[sflag:s12] =	ssyncadd.s32 $0xFFFF4000  }
0x166: {  	v3 =	vld [tilespmem:$0x100];
	_ =	sdelay $0x4  }
0x167: {  	v16 =	vshrl.u32 v3, $0x3  }
0x168: {  	v4 =	vmul.u32 $0x30, v16  }
0x169: {  	v3 =	vand.u32 $0x7, v3  }
0x16a: {  	v3 =	vor.u32 v3, v4  }
0x16b: {  	v4 =	vperm.xlane v3, v0;
	_ =	sdelay $0x1  }
0x16c: {  	v4 =	vadd.s32 v1, v4;
	_ =	sdelay $0x3  }
0x16d: {  	v3 =	vperm.xlane v3, v2  }
0x16e: {  	[tilespmem:s8], [sflag:$0x1] =	stream.indirect_vreg.gather [hbm4b:s2+s3], $0x80, v4, vm0, $0xb8;
	[tilespmem:$0x18400] =	vst v63  }
0x16f: {  	s13 =	simm.s32 $0xC00;
	v3 =	vadd.s32 v1, v3  }
0x170: {  	[tilespmem:s13], [sflag:$0x1] =	stream.indirect_vreg.gather [hbm4b:s5+s3], $0x80, v4, vm0, $0xb8;
	[tilespmem:$0x18400] =	vst v63  }
0x171: {  	s8 =	simm.s32 $0x1400  }
0x172: {  	[tilespmem:s8], [sflag:$0x1] =	stream.indirect_vreg.gather [hbm4b:s6+s3], $0x80, v4, vm0, $0xb8;
	[tilespmem:$0x18400] =	vst v63  }
0x173: {  	s13 =	simm.s32 $0x1C00  }
0x174: {  	[tilespmem:s13], [sflag:$0x1] =	stream.indirect_vreg.gather [hbm4b:s2+s3], $0x80, v3, vm0, $0xb8;
	[tilespmem:$0x18400] =	vst v63  }
0x175: {  	s8 =	simm.s32 $0x2400  }
0x176: {  	[tilespmem:s8], [sflag:$0x1] =	stream.indirect_vreg.gather [hbm4b:s5+s3], $0x80, v3, vm0, $0xb8;
	[tilespmem:$0x18400] =	vst v63  }
0x177: {  	s13 =	simm.s32 $0x2C00  }
0x178: {  	[tilespmem:s13], [sflag:$0x1] =	stream.indirect_vreg.gather [hbm4b:s6+s3], $0x80, v3, vm0, $0xb8;
	[tilespmem:$0x18400] =	vst v63  }
0x179: {  	v3 =	vld [tilespmem:$0x110];
	_ =	sdelay $0x4  }
0x17a: {  	v17 =	vshrl.u32 v3, $0x3  }
0x17b: {  	v4 =	vmul.u32 $0x30, v17  }
0x17c: {  	v3 =	vand.u32 $0x7, v3  }
0x17d: {  	v3 =	vor.u32 v3, v4  }
0x17e: {  	v4 =	vperm.xlane v3, v0;
	_ =	sdelay $0x1  }
0x17f: {  	v4 =	vadd.s32 v1, v4;
	_ =	sdelay $0x3  }
0x180: {  	s8 =	simm.s32 $0x3400;
	v3 =	vperm.xlane v3, v2  }
0x181: {  	[tilespmem:s8], [sflag:$0x1] =	stream.indirect_vreg.gather [hbm4b:s2+s3], $0x80, v4, vm0, $0xb8;
	[tilespmem:$0x18400] =	vst v63  }
0x182: {  	s13 =	simm.s32 $0x3C00;
	v3 =	vadd.s32 v1, v3  }
0x183: {  	[tilespmem:s13], [sflag:$0x1] =	stream.indirect_vreg.gather [hbm4b:s5+s3], $0x80, v4, vm0, $0xb8;
	[tilespmem:$0x18400] =	vst v63  }
0x184: {  	s8 =	simm.s32 $0x4400  }
0x185: {  	[tilespmem:s8], [sflag:$0x1] =	stream.indirect_vreg.gather [hbm4b:s6+s3], $0x80, v4, vm0, $0xb8;
	[tilespmem:$0x18400] =	vst v63  }
0x186: {  	s13 =	simm.s32 $0x4C00  }
0x187: {  	[tilespmem:s13], [sflag:$0x1] =	stream.indirect_vreg.gather [hbm4b:s2+s3], $0x80, v3, vm0, $0xb8;
	[tilespmem:$0x18400] =	vst v63  }
0x188: {  	s8 =	simm.s32 $0x5400  }
0x189: {  	[tilespmem:s8], [sflag:$0x1] =	stream.indirect_vreg.gather [hbm4b:s5+s3], $0x80, v3, vm0, $0xb8;
	[tilespmem:$0x18400] =	vst v63  }
0x18a: {  	s13 =	simm.s32 $0x5C00  }
0x18b: {  	[tilespmem:s13], [sflag:$0x1] =	stream.indirect_vreg.gather [hbm4b:s6+s3], $0x80, v3, vm0, $0xb8;
	[tilespmem:$0x18400] =	vst v63  }
0x18c: {  	v3 =	vld [tilespmem:$0x120];
	_ =	sdelay $0x4  }
0x18d: {  	v18 =	vshrl.u32 v3, $0x3  }
0x18e: {  	v4 =	vmul.u32 $0x30, v18  }
0x18f: {  	v3 =	vand.u32 $0x7, v3  }
0x190: {  	v3 =	vor.u32 v3, v4  }
0x191: {  	v4 =	vperm.xlane v3, v0;
	_ =	sdelay $0x1  }
0x192: {  	v4 =	vadd.s32 v1, v4;
	_ =	sdelay $0x3  }
0x193: {  	s8 =	simm.s32 $0x6400;
	v3 =	vperm.xlane v3, v2  }
0x194: {  	[tilespmem:s8], [sflag:$0x1] =	stream.indirect_vreg.gather [hbm4b:s2+s3], $0x80, v4, vm0, $0xb8;
	[tilespmem:$0x18400] =	vst v63  }
0x195: {  	v3 =	vadd.s32 v1, v3  }
0x196: {  	[tilespmem:s29], [sflag:$0x1] =	stream.indirect_vreg.gather [hbm4b:s5+s3], $0x80, v4, vm0, $0xb8;
	[tilespmem:$0x18400] =	vst v63  }
0x197: {  	_ = 	snop  }
0x198: {  	[tilespmem:s30], [sflag:$0x1] =	stream.indirect_vreg.gather [hbm4b:s6+s3], $0x80, v4, vm0, $0xb8;
	[tilespmem:$0x18400] =	vst v63  }
0x199: {  	_ = 	snop  }
0x19a: {  	[tilespmem:s31], [sflag:$0x1] =	stream.indirect_vreg.gather [hbm4b:s2+s3], $0x80, v3, vm0, $0xb8;
	[tilespmem:$0x18400] =	vst v63  }
0x19b: {  	s8 =	simm.s32 $0x8400  }
0x19c: {  	[tilespmem:s8], [sflag:$0x1] =	stream.indirect_vreg.gather [hbm4b:s5+s3], $0x80, v3, vm0, $0xb8;
	[tilespmem:$0x18400] =	vst v63  }
0x19d: {  	s30 =	simm.s32 $0x8C00  }
0x19e: {  	[tilespmem:s30], [sflag:$0x1] =	stream.indirect_vreg.gather [hbm4b:s6+s3], $0x80, v3, vm0, $0xb8;
	[tilespmem:$0x18400] =	vst v63  }
0x19f: {  	v3 =	vld [tilespmem:$0x130];
	_ =	sdelay $0x4  }
0x1a0: {  	v19 =	vshrl.u32 v3, $0x3  }
0x1a1: {  	v4 =	vmul.u32 $0x30, v19  }
0x1a2: {  	v3 =	vand.u32 $0x7, v3  }
0x1a3: {  	v3 =	vor.u32 v3, v4  }
0x1a4: {  	v4 =	vperm.xlane v3, v0;
	_ =	sdelay $0x1  }
0x1a5: {  	v4 =	vadd.s32 v1, v4;
	_ =	sdelay $0x3  }
0x1a6: {  	s29 =	simm.s32 $0x9400;
	v3 =	vperm.xlane v3, v2  }
0x1a7: {  	[tilespmem:s29], [sflag:$0x1] =	stream.indirect_vreg.gather [hbm4b:s2+s3], $0x80, v4, vm0, $0xb8;
	[tilespmem:$0x18400] =	vst v63  }
0x1a8: {  	s13 =	simm.s32 $0x9C00;
	v3 =	vadd.s32 v1, v3  }
0x1a9: {  	[tilespmem:s13], [sflag:$0x1] =	stream.indirect_vreg.gather [hbm4b:s5+s3], $0x80, v4, vm0, $0xb8;
	[tilespmem:$0x18400] =	vst v63  }
0x1aa: {  	_ = 	snop  }
0x1ab: {  	[tilespmem:s9], [sflag:$0x1] =	stream.indirect_vreg.gather [hbm4b:s6+s3], $0x80, v4, vm0, $0xb8;
	[tilespmem:$0x18400] =	vst v63  }
0x1ac: {  	_ = 	snop  }
0x1ad: {  	[tilespmem:s28], [sflag:$0x1] =	stream.indirect_vreg.gather [hbm4b:s2+s3], $0x80, v3, vm0, $0xb8;
	[tilespmem:$0x18400] =	vst v63  }
0x1ae: {  	s31 =	simm.s32 $0xB400  }
0x1af: {  	[tilespmem:s31], [sflag:$0x1] =	stream.indirect_vreg.gather [hbm4b:s5+s3], $0x80, v3, vm0, $0xb8;
	[tilespmem:$0x18400] =	vst v63  }
0x1b0: {  	s28 =	simm.s32 $0xBC00  }
0x1b1: {  	[tilespmem:s28], [sflag:$0x1] =	stream.indirect_vreg.gather [hbm4b:s6+s3], $0x80, v3, vm0, $0xb8;
	[tilespmem:$0x18400] =	vst v63  }
0x1b2: {  	s0 =	rddreg [dreg:$0x7];
	s9 =	simm.s32 $0xC400  }
0x1b3: {  	[hbm4b:s0+s3] =	stream.linear.scatter [tilespmem:s9], [sflag:$0x4], $0xC000, $0x38;
	[tilespmem:$0x18400] =	vst v63  }
0x1b4: {  	_ =	swait.ge [sflag:s4], $0xC000  }
0x1b5: {  	[sflag:s4] =	ssyncset.done $0x0  }
0x1b6: {  	[sflag:s4] =	ssyncadd.s32 $0xFFFF4000  }
0x1b7: {  	_ =	swait.ge [sflag:s11], $0xC000  }
0x1b8: {  	[sflag:s11] =	ssyncset.done $0x0  }
0x1b9: {  	[sflag:s11] =	ssyncadd.s32 $0xFFFF4000  }
0x1ba: {  	v3 =	vld [tilespmem:$0x140];
	_ =	sdelay $0x4  }
0x1bb: {  	v20 =	vshrl.u32 v3, $0x3  }
0x1bc: {  	v4 =	vmul.u32 $0x30, v20  }
0x1bd: {  	v3 =	vand.u32 $0x7, v3  }
0x1be: {  	v3 =	vor.u32 v3, v4  }
0x1bf: {  	v4 =	vperm.xlane v3, v0;
	_ =	sdelay $0x1  }
0x1c0: {  	v4 =	vadd.s32 v1, v4;
	_ =	sdelay $0x3  }
0x1c1: {  	v3 =	vperm.xlane v3, v2  }
0x1c2: {  	[tilespmem:s9], [sflag:$0x2] =	stream.indirect_vreg.gather [hbm4b:s2+s3], $0x80, v4, vm0, $0xb8;
	[tilespmem:$0x18400] =	vst v63  }
0x1c3: {  	v3 =	vadd.s32 v1, v3  }
0x1c4: {  	[tilespmem:s7], [sflag:$0x2] =	stream.indirect_vreg.gather [hbm4b:s5+s3], $0x80, v4, vm0, $0xb8;
	[tilespmem:$0x18400] =	vst v63  }
0x1c5: {  	_ = 	snop  }
0x1c6: {  	[tilespmem:s1], [sflag:$0x2] =	stream.indirect_vreg.gather [hbm4b:s6+s3], $0x80, v4, vm0, $0xb8;
	[tilespmem:$0x18400] =	vst v63  }
0x1c7: {  	_ = 	snop  }
0x1c8: {  	[tilespmem:s14], [sflag:$0x2] =	stream.indirect_vreg.gather [hbm4b:s2+s3], $0x80, v3, vm0, $0xb8;
	[tilespmem:$0x18400] =	vst v63  }
0x1c9: {  	_ = 	snop  }
0x1ca: {  	[tilespmem:s15], [sflag:$0x2] =	stream.indirect_vreg.gather [hbm4b:s5+s3], $0x80, v3, vm0, $0xb8;
	[tilespmem:$0x18400] =	vst v63  }
0x1cb: {  	s7 =	simm.s32 $0xEC00  }
0x1cc: {  	[tilespmem:s7], [sflag:$0x2] =	stream.indirect_vreg.gather [hbm4b:s6+s3], $0x80, v3, vm0, $0xb8;
	[tilespmem:$0x18400] =	vst v63  }
0x1cd: {  	v3 =	vld [tilespmem:$0x150];
	_ =	sdelay $0x4  }
0x1ce: {  	v21 =	vshrl.u32 v3, $0x3  }
0x1cf: {  	v4 =	vmul.u32 $0x30, v21  }
0x1d0: {  	v3 =	vand.u32 $0x7, v3  }
0x1d1: {  	v3 =	vor.u32 v3, v4  }
0x1d2: {  	v4 =	vperm.xlane v3, v0;
	_ =	sdelay $0x1  }
0x1d3: {  	v4 =	vadd.s32 v1, v4;
	_ =	sdelay $0x3  }
0x1d4: {  	s9 =	simm.s32 $0xF400;
	v3 =	vperm.xlane v3, v2  }
0x1d5: {  	[tilespmem:s9], [sflag:$0x2] =	stream.indirect_vreg.gather [hbm4b:s2+s3], $0x80, v4, vm0, $0xb8;
	[tilespmem:$0x18400] =	vst v63  }
0x1d6: {  	v3 =	vadd.s32 v1, v3  }
0x1d7: {  	[tilespmem:s16], [sflag:$0x2] =	stream.indirect_vreg.gather [hbm4b:s5+s3], $0x80, v4, vm0, $0xb8;
	[tilespmem:$0x18400] =	vst v63  }
0x1d8: {  	_ = 	snop  }
0x1d9: {  	[tilespmem:s17], [sflag:$0x2] =	stream.indirect_vreg.gather [hbm4b:s6+s3], $0x80, v4, vm0, $0xb8;
	[tilespmem:$0x18400] =	vst v63  }
0x1da: {  	_ = 	snop  }
0x1db: {  	[tilespmem:s18], [sflag:$0x2] =	stream.indirect_vreg.gather [hbm4b:s2+s3], $0x80, v3, vm0, $0xb8;
	[tilespmem:$0x18400] =	vst v63  }
0x1dc: {  	_ = 	snop  }
0x1dd: {  	[tilespmem:s19], [sflag:$0x2] =	stream.indirect_vreg.gather [hbm4b:s5+s3], $0x80, v3, vm0, $0xb8;
	[tilespmem:$0x18400] =	vst v63  }
0x1de: {  	s14 =	simm.s32 $0x11C00  }
0x1df: {  	[tilespmem:s14], [sflag:$0x2] =	stream.indirect_vreg.gather [hbm4b:s6+s3], $0x80, v3, vm0, $0xb8;
	[tilespmem:$0x18400] =	vst v63  }
0x1e0: {  	v3 =	vld [tilespmem:$0x160];
	_ =	sdelay $0x4  }
0x1e1: {  	v22 =	vshrl.u32 v3, $0x3  }
0x1e2: {  	v4 =	vmul.u32 $0x30, v22  }
0x1e3: {  	v3 =	vand.u32 $0x7, v3  }
0x1e4: {  	v3 =	vor.u32 v3, v4  }
0x1e5: {  	v4 =	vperm.xlane v3, v0;
	_ =	sdelay $0x1  }
0x1e6: {  	v4 =	vadd.s32 v1, v4;
	_ =	sdelay $0x3  }
0x1e7: {  	s15 =	simm.s32 $0x12400;
	v3 =	vperm.xlane v3, v2  }
0x1e8: {  	[tilespmem:s15], [sflag:$0x2] =	stream.indirect_vreg.gather [hbm4b:s2+s3], $0x80, v4, vm0, $0xb8;
	[tilespmem:$0x18400] =	vst v63  }
0x1e9: {  	v3 =	vadd.s32 v1, v3  }
0x1ea: {  	[tilespmem:s20], [sflag:$0x2] =	stream.indirect_vreg.gather [hbm4b:s5+s3], $0x80, v4, vm0, $0xb8;
	[tilespmem:$0x18400] =	vst v63  }
0x1eb: {  	_ = 	snop  }
0x1ec: {  	[tilespmem:s21], [sflag:$0x2] =	stream.indirect_vreg.gather [hbm4b:s6+s3], $0x80, v4, vm0, $0xb8;
	[tilespmem:$0x18400] =	vst v63  }
0x1ed: {  	_ = 	snop  }
0x1ee: {  	[tilespmem:s22], [sflag:$0x2] =	stream.indirect_vreg.gather [hbm4b:s2+s3], $0x80, v3, vm0, $0xb8;
	[tilespmem:$0x18400] =	vst v63  }
0x1ef: {  	_ = 	snop  }
0x1f0: {  	[tilespmem:s23], [sflag:$0x2] =	stream.indirect_vreg.gather [hbm4b:s5+s3], $0x80, v3, vm0, $0xb8;
	[tilespmem:$0x18400] =	vst v63  }
0x1f1: {  	s16 =	simm.s32 $0x14C00  }
0x1f2: {  	[tilespmem:s16], [sflag:$0x2] =	stream.indirect_vreg.gather [hbm4b:s6+s3], $0x80, v3, vm0, $0xb8;
	[tilespmem:$0x18400] =	vst v63  }
0x1f3: {  	v3 =	vld [tilespmem:$0x170];
	_ =	sdelay $0x4  }
0x1f4: {  	v23 =	vshrl.u32 v3, $0x3  }
0x1f5: {  	v4 =	vmul.u32 $0x30, v23  }
0x1f6: {  	v3 =	vand.u32 $0x7, v3  }
0x1f7: {  	v3 =	vor.u32 v3, v4  }
0x1f8: {  	v4 =	vperm.xlane v3, v0;
	_ =	sdelay $0x1  }
0x1f9: {  	v4 =	vadd.s32 v1, v4;
	_ =	sdelay $0x3  }
0x1fa: {  	s17 =	simm.s32 $0x15400;
	v3 =	vperm.xlane v3, v2  }
0x1fb: {  	[tilespmem:s17], [sflag:$0x2] =	stream.indirect_vreg.gather [hbm4b:s2+s3], $0x80, v4, vm0, $0xb8;
	[tilespmem:$0x18400] =	vst v63  }
0x1fc: {  	v3 =	vadd.s32 v1, v3  }
0x1fd: {  	[tilespmem:s24], [sflag:$0x2] =	stream.indirect_vreg.gather [hbm4b:s5+s3], $0x80, v4, vm0, $0xb8;
	[tilespmem:$0x18400] =	vst v63  }
0x1fe: {  	_ = 	snop  }
0x1ff: {  	[tilespmem:s25], [sflag:$0x2] =	stream.indirect_vreg.gather [hbm4b:s6+s3], $0x80, v4, vm0, $0xb8;
	[tilespmem:$0x18400] =	vst v63  }
0x200: {  	_ = 	snop  }
0x201: {  	[tilespmem:s26], [sflag:$0x2] =	stream.indirect_vreg.gather [hbm4b:s2+s3], $0x80, v3, vm0, $0xb8;
	[tilespmem:$0x18400] =	vst v63  }
0x202: {  	s1 =	simm.s32 $0x17400  }
0x203: {  	[tilespmem:s1], [sflag:$0x2] =	stream.indirect_vreg.gather [hbm4b:s5+s3], $0x80, v3, vm0, $0xb8;
	[tilespmem:$0x18400] =	vst v63  }
0x204: {  	s0 =	simm.s32 $0x17C00  }
0x205: {  	[tilespmem:s0], [sflag:$0x2] =	stream.indirect_vreg.gather [hbm4b:s6+s3], $0x80, v3, vm0, $0xb8;
	[tilespmem:$0x18400] =	vst v63  }
0x206: {  	s31 =	simm.s32 $0x400;
	s26 =	rddreg [dreg:$0x8]  }
0x207: {  	[hbm4b:s26+s3] =	stream.linear.scatter [tilespmem:s31], [sflag:$0x3], $0xC000, $0x38;
	[tilespmem:$0x18400] =	vst v63  }
0x208: {  	_ =	swait.ge [sflag:s10], $0xC000  }
0x209: {  	[sflag:s10] =	ssyncset.done $0x0  }
0x20a: {  	[sflag:s10] =	ssyncadd.s32 $0xFFFF4000  }
0x20b: {  	_ =	swait.ge [sflag:s12], $0xC000  }
0x20c: {  	[sflag:s12] =	ssyncset.done $0x0  }
0x20d: {  	[sflag:s12] =	ssyncadd.s32 $0xFFFF4000  }
0x20e: {  	v3 =	vld [tilespmem:$0x180];
	_ =	sdelay $0x4  }
0x20f: {  	v24 =	vshrl.u32 v3, $0x3  }
0x210: {  	v4 =	vmul.u32 $0x30, v24  }
0x211: {  	v3 =	vand.u32 $0x7, v3  }
0x212: {  	v3 =	vor.u32 v3, v4  }
0x213: {  	v4 =	vperm.xlane v3, v0;
	_ =	sdelay $0x1  }
0x214: {  	v4 =	vadd.s32 v1, v4;
	_ =	sdelay $0x3  }
0x215: {  	v3 =	vperm.xlane v3, v2  }
0x216: {  	[tilespmem:s31], [sflag:$0x1] =	stream.indirect_vreg.gather [hbm4b:s2+s3], $0x80, v4, vm0, $0xb8;
	[tilespmem:$0x18400] =	vst v63  }
0x217: {  	s18 =	simm.s32 $0xC00;
	v3 =	vadd.s32 v1, v3  }
0x218: {  	[tilespmem:s18], [sflag:$0x1] =	stream.indirect_vreg.gather [hbm4b:s5+s3], $0x80, v4, vm0, $0xb8;
	[tilespmem:$0x18400] =	vst v63  }
0x219: {  	s19 =	simm.s32 $0x1400  }
0x21a: {  	[tilespmem:s19], [sflag:$0x1] =	stream.indirect_vreg.gather [hbm4b:s6+s3], $0x80, v4, vm0, $0xb8;
	[tilespmem:$0x18400] =	vst v63  }
0x21b: {  	s20 =	simm.s32 $0x1C00  }
0x21c: {  	[tilespmem:s20], [sflag:$0x1] =	stream.indirect_vreg.gather [hbm4b:s2+s3], $0x80, v3, vm0, $0xb8;
	[tilespmem:$0x18400] =	vst v63  }
0x21d: {  	s21 =	simm.s32 $0x2400  }
0x21e: {  	[tilespmem:s21], [sflag:$0x1] =	stream.indirect_vreg.gather [hbm4b:s5+s3], $0x80, v3, vm0, $0xb8;
	[tilespmem:$0x18400] =	vst v63  }
0x21f: {  	s22 =	simm.s32 $0x2C00  }
0x220: {  	[tilespmem:s22], [sflag:$0x1] =	stream.indirect_vreg.gather [hbm4b:s6+s3], $0x80, v3, vm0, $0xb8;
	[tilespmem:$0x18400] =	vst v63  }
0x221: {  	v3 =	vld [tilespmem:$0x190];
	_ =	sdelay $0x4  }
0x222: {  	v25 =	vshrl.u32 v3, $0x3  }
0x223: {  	v4 =	vmul.u32 $0x30, v25  }
0x224: {  	v3 =	vand.u32 $0x7, v3  }
0x225: {  	v3 =	vor.u32 v3, v4  }
0x226: {  	v4 =	vperm.xlane v3, v0;
	_ =	sdelay $0x1  }
0x227: {  	v4 =	vadd.s32 v1, v4;
	_ =	sdelay $0x3  }
0x228: {  	s23 =	simm.s32 $0x3400;
	v3 =	vperm.xlane v3, v2  }
0x229: {  	[tilespmem:s23], [sflag:$0x1] =	stream.indirect_vreg.gather [hbm4b:s2+s3], $0x80, v4, vm0, $0xb8;
	[tilespmem:$0x18400] =	vst v63  }
0x22a: {  	s24 =	simm.s32 $0x3C00;
	v3 =	vadd.s32 v1, v3  }
0x22b: {  	[tilespmem:s24], [sflag:$0x1] =	stream.indirect_vreg.gather [hbm4b:s5+s3], $0x80, v4, vm0, $0xb8;
	[tilespmem:$0x18400] =	vst v63  }
0x22c: {  	s25 =	simm.s32 $0x4400  }
0x22d: {  	[tilespmem:s25], [sflag:$0x1] =	stream.indirect_vreg.gather [hbm4b:s6+s3], $0x80, v4, vm0, $0xb8;
	[tilespmem:$0x18400] =	vst v63  }
0x22e: {  	s26 =	simm.s32 $0x4C00  }
0x22f: {  	[tilespmem:s26], [sflag:$0x1] =	stream.indirect_vreg.gather [hbm4b:s2+s3], $0x80, v3, vm0, $0xb8;
	[tilespmem:$0x18400] =	vst v63  }
0x230: {  	s31 =	simm.s32 $0x5400  }
0x231: {  	[tilespmem:s31], [sflag:$0x1] =	stream.indirect_vreg.gather [hbm4b:s5+s3], $0x80, v3, vm0, $0xb8;
	[tilespmem:$0x18400] =	vst v63  }
0x232: {  	s18 =	simm.s32 $0x5C00  }
0x233: {  	[tilespmem:s18], [sflag:$0x1] =	stream.indirect_vreg.gather [hbm4b:s6+s3], $0x80, v3, vm0, $0xb8;
	[tilespmem:$0x18400] =	vst v63  }
0x234: {  	v3 =	vld [tilespmem:$0x1A0];
	_ =	sdelay $0x4  }
0x235: {  	v26 =	vshrl.u32 v3, $0x3  }
0x236: {  	v4 =	vmul.u32 $0x30, v26  }
0x237: {  	v3 =	vand.u32 $0x7, v3  }
0x238: {  	v3 =	vor.u32 v3, v4  }
0x239: {  	v4 =	vperm.xlane v3, v0;
	_ =	sdelay $0x1  }
0x23a: {  	v4 =	vadd.s32 v1, v4;
	_ =	sdelay $0x3  }
0x23b: {  	s19 =	simm.s32 $0x6400;
	v3 =	vperm.xlane v3, v2  }
0x23c: {  	[tilespmem:s19], [sflag:$0x1] =	stream.indirect_vreg.gather [hbm4b:s2+s3], $0x80, v4, vm0, $0xb8;
	[tilespmem:$0x18400] =	vst v63  }
0x23d: {  	s25 =	simm.s32 $0x6C00;
	v3 =	vadd.s32 v1, v3  }
0x23e: {  	[tilespmem:s25], [sflag:$0x1] =	stream.indirect_vreg.gather [hbm4b:s5+s3], $0x80, v4, vm0, $0xb8;
	[tilespmem:$0x18400] =	vst v63  }
0x23f: {  	s26 =	simm.s32 $0x7400  }
0x240: {  	[tilespmem:s26], [sflag:$0x1] =	stream.indirect_vreg.gather [hbm4b:s6+s3], $0x80, v4, vm0, $0xb8;
	[tilespmem:$0x18400] =	vst v63  }
0x241: {  	s31 =	simm.s32 $0x7C00  }
0x242: {  	[tilespmem:s31], [sflag:$0x1] =	stream.indirect_vreg.gather [hbm4b:s2+s3], $0x80, v3, vm0, $0xb8;
	[tilespmem:$0x18400] =	vst v63  }
0x243: {  	_ = 	snop  }
0x244: {  	[tilespmem:s8], [sflag:$0x1] =	stream.indirect_vreg.gather [hbm4b:s5+s3], $0x80, v3, vm0, $0xb8;
	[tilespmem:$0x18400] =	vst v63  }
0x245: {  	_ = 	snop  }
0x246: {  	[tilespmem:s30], [sflag:$0x1] =	stream.indirect_vreg.gather [hbm4b:s6+s3], $0x80, v3, vm0, $0xb8;
	[tilespmem:$0x18400] =	vst v63  }
0x247: {  	v3 =	vld [tilespmem:$0x1B0];
	_ =	sdelay $0x4  }
0x248: {  	v27 =	vshrl.u32 v3, $0x3  }
0x249: {  	v4 =	vmul.u32 $0x30, v27  }
0x24a: {  	v3 =	vand.u32 $0x7, v3  }
0x24b: {  	v3 =	vor.u32 v3, v4  }
0x24c: {  	v4 =	vperm.xlane v3, v0;
	_ =	sdelay $0x1  }
0x24d: {  	v4 =	vadd.s32 v1, v4;
	_ =	sdelay $0x3  }
0x24e: {  	v3 =	vperm.xlane v3, v2  }
0x24f: {  	[tilespmem:s29], [sflag:$0x1] =	stream.indirect_vreg.gather [hbm4b:s2+s3], $0x80, v4, vm0, $0xb8;
	[tilespmem:$0x18400] =	vst v63  }
0x250: {  	v3 =	vadd.s32 v1, v3;
	s29 =	simm.s32 $0x9C00  }
0x251: {  	[tilespmem:s29], [sflag:$0x1] =	stream.indirect_vreg.gather [hbm4b:s5+s3], $0x80, v4, vm0, $0xb8;
	[tilespmem:$0x18400] =	vst v63  }
0x252: {  	s30 =	simm.s32 $0xA400  }
0x253: {  	[tilespmem:s30], [sflag:$0x1] =	stream.indirect_vreg.gather [hbm4b:s6+s3], $0x80, v4, vm0, $0xb8;
	[tilespmem:$0x18400] =	vst v63  }
0x254: {  	s20 =	simm.s32 $0xAC00  }
0x255: {  	[tilespmem:s20], [sflag:$0x1] =	stream.indirect_vreg.gather [hbm4b:s2+s3], $0x80, v3, vm0, $0xb8;
	[tilespmem:$0x18400] =	vst v63  }
0x256: {  	s21 =	simm.s32 $0xB400  }
0x257: {  	[tilespmem:s21], [sflag:$0x1] =	stream.indirect_vreg.gather [hbm4b:s5+s3], $0x80, v3, vm0, $0xb8;
	[tilespmem:$0x18400] =	vst v63  }
0x258: {  	_ = 	snop  }
0x259: {  	[tilespmem:s28], [sflag:$0x1] =	stream.indirect_vreg.gather [hbm4b:s6+s3], $0x80, v3, vm0, $0xb8;
	[tilespmem:$0x18400] =	vst v63  }
0x25a: {  	s22 =	rddreg [dreg:$0x9];
	s23 =	simm.s32 $0xC400  }
0x25b: {  	[hbm4b:s22+s3] =	stream.linear.scatter [tilespmem:s23], [sflag:$0x4], $0xC000, $0x38;
	[tilespmem:$0x18400] =	vst v63  }
0x25c: {  	_ =	swait.ge [sflag:s4], $0xC000  }
0x25d: {  	[sflag:s4] =	ssyncset.done $0x0  }
0x25e: {  	[sflag:s4] =	ssyncadd.s32 $0xFFFF4000  }
0x25f: {  	_ =	swait.ge [sflag:s11], $0xC000  }
0x260: {  	[sflag:s11] =	ssyncset.done $0x0  }
0x261: {  	[sflag:s11] =	ssyncadd.s32 $0xFFFF4000  }
0x262: {  	v3 =	vld [tilespmem:$0x1C0];
	_ =	sdelay $0x4  }
0x263: {  	v28 =	vshrl.u32 v3, $0x3  }
0x264: {  	v4 =	vmul.u32 $0x30, v28  }
0x265: {  	v3 =	vand.u32 $0x7, v3  }
0x266: {  	v3 =	vor.u32 v3, v4  }
0x267: {  	v4 =	vperm.xlane v3, v0;
	_ =	sdelay $0x1  }
0x268: {  	v4 =	vadd.s32 v1, v4;
	_ =	sdelay $0x3  }
0x269: {  	v3 =	vperm.xlane v3, v2  }
0x26a: {  	[tilespmem:s23], [sflag:$0x2] =	stream.indirect_vreg.gather [hbm4b:s2+s3], $0x80, v4, vm0, $0xb8;
	[tilespmem:$0x18400] =	vst v63  }
0x26b: {  	s28 =	simm.s32 $0xCC00;
	v3 =	vadd.s32 v1, v3  }
0x26c: {  	[tilespmem:s28], [sflag:$0x2] =	stream.indirect_vreg.gather [hbm4b:s5+s3], $0x80, v4, vm0, $0xb8;
	[tilespmem:$0x18400] =	vst v63  }
0x26d: {  	s8 =	simm.s32 $0xD400  }
0x26e: {  	[tilespmem:s8], [sflag:$0x2] =	stream.indirect_vreg.gather [hbm4b:s6+s3], $0x80, v4, vm0, $0xb8;
	[tilespmem:$0x18400] =	vst v63  }
0x26f: {  	s18 =	simm.s32 $0xDC00  }
0x270: {  	[tilespmem:s18], [sflag:$0x2] =	stream.indirect_vreg.gather [hbm4b:s2+s3], $0x80, v3, vm0, $0xb8;
	[tilespmem:$0x18400] =	vst v63  }
0x271: {  	s19 =	simm.s32 $0xE400  }
0x272: {  	[tilespmem:s19], [sflag:$0x2] =	stream.indirect_vreg.gather [hbm4b:s5+s3], $0x80, v3, vm0, $0xb8;
	[tilespmem:$0x18400] =	vst v63  }
0x273: {  	_ = 	snop  }
0x274: {  	[tilespmem:s7], [sflag:$0x2] =	stream.indirect_vreg.gather [hbm4b:s6+s3], $0x80, v3, vm0, $0xb8;
	[tilespmem:$0x18400] =	vst v63  }
0x275: {  	v3 =	vld [tilespmem:$0x1D0];
	_ =	sdelay $0x4  }
0x276: {  	v29 =	vshrl.u32 v3, $0x3  }
0x277: {  	v4 =	vmul.u32 $0x30, v29  }
0x278: {  	v3 =	vand.u32 $0x7, v3  }
0x279: {  	v3 =	vor.u32 v3, v4  }
0x27a: {  	v4 =	vperm.xlane v3, v0;
	_ =	sdelay $0x1  }
0x27b: {  	v4 =	vadd.s32 v1, v4;
	_ =	sdelay $0x3  }
0x27c: {  	v3 =	vperm.xlane v3, v2  }
0x27d: {  	[tilespmem:s9], [sflag:$0x2] =	stream.indirect_vreg.gather [hbm4b:s2+s3], $0x80, v4, vm0, $0xb8;
	[tilespmem:$0x18400] =	vst v63  }
0x27e: {  	s7 =	simm.s32 $0xFC00;
	v3 =	vadd.s32 v1, v3  }
0x27f: {  	[tilespmem:s7], [sflag:$0x2] =	stream.indirect_vreg.gather [hbm4b:s5+s3], $0x80, v4, vm0, $0xb8;
	[tilespmem:$0x18400] =	vst v63  }
0x280: {  	s24 =	simm.s32 $0x10400  }
0x281: {  	[tilespmem:s24], [sflag:$0x2] =	stream.indirect_vreg.gather [hbm4b:s6+s3], $0x80, v4, vm0, $0xb8;
	[tilespmem:$0x18400] =	vst v63  }
0x282: {  	s20 =	simm.s32 $0x10C00  }
0x283: {  	[tilespmem:s20], [sflag:$0x2] =	stream.indirect_vreg.gather [hbm4b:s2+s3], $0x80, v3, vm0, $0xb8;
	[tilespmem:$0x18400] =	vst v63  }
0x284: {  	s21 =	simm.s32 $0x11400  }
0x285: {  	[tilespmem:s21], [sflag:$0x2] =	stream.indirect_vreg.gather [hbm4b:s5+s3], $0x80, v3, vm0, $0xb8;
	[tilespmem:$0x18400] =	vst v63  }
0x286: {  	_ = 	snop  }
0x287: {  	[tilespmem:s14], [sflag:$0x2] =	stream.indirect_vreg.gather [hbm4b:s6+s3], $0x80, v3, vm0, $0xb8;
	[tilespmem:$0x18400] =	vst v63  }
0x288: {  	v3 =	vld [tilespmem:$0x1E0];
	_ =	sdelay $0x4  }
0x289: {  	v30 =	vshrl.u32 v3, $0x3  }
0x28a: {  	v4 =	vmul.u32 $0x30, v30  }
0x28b: {  	v3 =	vand.u32 $0x7, v3  }
0x28c: {  	v3 =	vor.u32 v3, v4  }
0x28d: {  	v4 =	vperm.xlane v3, v0;
	_ =	sdelay $0x1  }
0x28e: {  	v4 =	vadd.s32 v1, v4;
	_ =	sdelay $0x3  }
0x28f: {  	v3 =	vperm.xlane v3, v2  }
0x290: {  	[tilespmem:s15], [sflag:$0x2] =	stream.indirect_vreg.gather [hbm4b:s2+s3], $0x80, v4, vm0, $0xb8;
	[tilespmem:$0x18400] =	vst v63  }
0x291: {  	s14 =	simm.s32 $0x12C00;
	v3 =	vadd.s32 v1, v3  }
0x292: {  	[tilespmem:s14], [sflag:$0x2] =	stream.indirect_vreg.gather [hbm4b:s5+s3], $0x80, v4, vm0, $0xb8;
	[tilespmem:$0x18400] =	vst v63  }
0x293: {  	s15 =	simm.s32 $0x13400  }
0x294: {  	[tilespmem:s15], [sflag:$0x2] =	stream.indirect_vreg.gather [hbm4b:s6+s3], $0x80, v4, vm0, $0xb8;
	[tilespmem:$0x18400] =	vst v63  }
0x295: {  	s22 =	simm.s32 $0x13C00  }
0x296: {  	[tilespmem:s22], [sflag:$0x2] =	stream.indirect_vreg.gather [hbm4b:s2+s3], $0x80, v3, vm0, $0xb8;
	[tilespmem:$0x18400] =	vst v63  }
0x297: {  	s23 =	simm.s32 $0x14400  }
0x298: {  	[tilespmem:s23], [sflag:$0x2] =	stream.indirect_vreg.gather [hbm4b:s5+s3], $0x80, v3, vm0, $0xb8;
	[tilespmem:$0x18400] =	vst v63  }
0x299: {  	_ = 	snop  }
0x29a: {  	[tilespmem:s16], [sflag:$0x2] =	stream.indirect_vreg.gather [hbm4b:s6+s3], $0x80, v3, vm0, $0xb8;
	[tilespmem:$0x18400] =	vst v63  }
0x29b: {  	v3 =	vld [tilespmem:$0x1F0];
	_ =	sdelay $0x4  }
0x29c: {  	v31 =	vshrl.u32 v3, $0x3  }
0x29d: {  	v4 =	vmul.u32 $0x30, v31  }
0x29e: {  	v3 =	vand.u32 $0x7, v3  }
0x29f: {  	v3 =	vor.u32 v3, v4  }
0x2a0: {  	v4 =	vperm.xlane v3, v0;
	_ =	sdelay $0x1  }
0x2a1: {  	v4 =	vadd.s32 v1, v4;
	_ =	sdelay $0x3  }
0x2a2: {  	v3 =	vperm.xlane v3, v2  }
0x2a3: {  	[tilespmem:s17], [sflag:$0x2] =	stream.indirect_vreg.gather [hbm4b:s2+s3], $0x80, v4, vm0, $0xb8;
	[tilespmem:$0x18400] =	vst v63  }
0x2a4: {  	s16 =	simm.s32 $0x15C00;
	v3 =	vadd.s32 v1, v3  }
0x2a5: {  	[tilespmem:s16], [sflag:$0x2] =	stream.indirect_vreg.gather [hbm4b:s5+s3], $0x80, v4, vm0, $0xb8;
	[tilespmem:$0x18400] =	vst v63  }
0x2a6: {  	s17 =	simm.s32 $0x16400  }
0x2a7: {  	[tilespmem:s17], [sflag:$0x2] =	stream.indirect_vreg.gather [hbm4b:s6+s3], $0x80, v4, vm0, $0xb8;
	[tilespmem:$0x18400] =	vst v63  }
0x2a8: {  	s24 =	simm.s32 $0x16C00  }
0x2a9: {  	[tilespmem:s24], [sflag:$0x2] =	stream.indirect_vreg.gather [hbm4b:s2+s3], $0x80, v3, vm0, $0xb8;
	[tilespmem:$0x18400] =	vst v63  }
0x2aa: {  	_ = 	snop  }
0x2ab: {  	[tilespmem:s1], [sflag:$0x2] =	stream.indirect_vreg.gather [hbm4b:s5+s3], $0x80, v3, vm0, $0xb8;
	[tilespmem:$0x18400] =	vst v63  }
0x2ac: {  	_ = 	snop  }
0x2ad: {  	[tilespmem:s0], [sflag:$0x2] =	stream.indirect_vreg.gather [hbm4b:s6+s3], $0x80, v3, vm0, $0xb8;
	[tilespmem:$0x18400] =	vst v63  }
0x2ae: {  	s9 =	simm.s32 $0x400;
	s1 =	rddreg [dreg:$0xa]  }
0x2af: {  	[hbm4b:s1+s3] =	stream.linear.scatter [tilespmem:s9], [sflag:$0x3], $0xC000, $0x38;
	[tilespmem:$0x18400] =	vst v63  }
0x2b0: {  	_ =	swait.ge [sflag:s10], $0xC000  }
0x2b1: {  	[sflag:s10] =	ssyncset.done $0x0  }
0x2b2: {  	[sflag:s10] =	ssyncadd.s32 $0xFFFF4000  }
0x2b3: {  	_ =	swait.ge [sflag:s12], $0xC000  }
0x2b4: {  	[sflag:s12] =	ssyncset.done $0x0  }
0x2b5: {  	[sflag:s12] =	ssyncadd.s32 $0xFFFF4000  }
0x2b6: {  	v3 =	vld [tilespmem:$0x200];
	_ =	sdelay $0x4  }
0x2b7: {  	v32 =	vshrl.u32 v3, $0x3  }
0x2b8: {  	v4 =	vmul.u32 $0x30, v32  }
0x2b9: {  	v3 =	vand.u32 $0x7, v3  }
0x2ba: {  	v3 =	vor.u32 v3, v4  }
0x2bb: {  	v4 =	vperm.xlane v3, v0;
	_ =	sdelay $0x1  }
0x2bc: {  	v4 =	vadd.s32 v1, v4;
	_ =	sdelay $0x3  }
0x2bd: {  	v3 =	vperm.xlane v3, v2  }
0x2be: {  	[tilespmem:s9], [sflag:$0x1] =	stream.indirect_vreg.gather [hbm4b:s2+s3], $0x80, v4, vm0, $0xb8;
	[tilespmem:$0x18400] =	vst v63  }
0x2bf: {  	s1 =	simm.s32 $0xC00;
	v3 =	vadd.s32 v1, v3  }
0x2c0: {  	[tilespmem:s1], [sflag:$0x1] =	stream.indirect_vreg.gather [hbm4b:s5+s3], $0x80, v4, vm0, $0xb8;
	[tilespmem:$0x18400] =	vst v63  }
0x2c1: {  	s9 =	simm.s32 $0x1400  }
0x2c2: {  	[tilespmem:s9], [sflag:$0x1] =	stream.indirect_vreg.gather [hbm4b:s6+s3], $0x80, v4, vm0, $0xb8;
	[tilespmem:$0x18400] =	vst v63  }
0x2c3: {  	s13 =	simm.s32 $0x1C00  }
0x2c4: {  	[tilespmem:s13], [sflag:$0x1] =	stream.indirect_vreg.gather [hbm4b:s2+s3], $0x80, v3, vm0, $0xb8;
	[tilespmem:$0x18400] =	vst v63  }
0x2c5: {  	s1 =	simm.s32 $0x2400  }
0x2c6: {  	[tilespmem:s1], [sflag:$0x1] =	stream.indirect_vreg.gather [hbm4b:s5+s3], $0x80, v3, vm0, $0xb8;
	[tilespmem:$0x18400] =	vst v63  }
0x2c7: {  	s9 =	simm.s32 $0x2C00  }
0x2c8: {  	[tilespmem:s9], [sflag:$0x1] =	stream.indirect_vreg.gather [hbm4b:s6+s3], $0x80, v3, vm0, $0xb8;
	[tilespmem:$0x18400] =	vst v63  }
0x2c9: {  	v3 =	vld [tilespmem:$0x210];
	_ =	sdelay $0x4  }
0x2ca: {  	v33 =	vshrl.u32 v3, $0x3  }
0x2cb: {  	v4 =	vmul.u32 $0x30, v33  }
0x2cc: {  	v3 =	vand.u32 $0x7, v3  }
0x2cd: {  	v3 =	vor.u32 v3, v4  }
0x2ce: {  	v4 =	vperm.xlane v3, v0;
	_ =	sdelay $0x1  }
0x2cf: {  	v4 =	vadd.s32 v1, v4;
	_ =	sdelay $0x3  }
0x2d0: {  	s13 =	simm.s32 $0x3400;
	v3 =	vperm.xlane v3, v2  }
0x2d1: {  	[tilespmem:s13], [sflag:$0x1] =	stream.indirect_vreg.gather [hbm4b:s2+s3], $0x80, v4, vm0, $0xb8;
	[tilespmem:$0x18400] =	vst v63  }
0x2d2: {  	s1 =	simm.s32 $0x3C00;
	v3 =	vadd.s32 v1, v3  }
0x2d3: {  	[tilespmem:s1], [sflag:$0x1] =	stream.indirect_vreg.gather [hbm4b:s5+s3], $0x80, v4, vm0, $0xb8;
	[tilespmem:$0x18400] =	vst v63  }
0x2d4: {  	s9 =	simm.s32 $0x4400  }
0x2d5: {  	[tilespmem:s9], [sflag:$0x1] =	stream.indirect_vreg.gather [hbm4b:s6+s3], $0x80, v4, vm0, $0xb8;
	[tilespmem:$0x18400] =	vst v63  }
0x2d6: {  	s13 =	simm.s32 $0x4C00  }
0x2d7: {  	[tilespmem:s13], [sflag:$0x1] =	stream.indirect_vreg.gather [hbm4b:s2+s3], $0x80, v3, vm0, $0xb8;
	[tilespmem:$0x18400] =	vst v63  }
0x2d8: {  	s1 =	simm.s32 $0x5400  }
0x2d9: {  	[tilespmem:s1], [sflag:$0x1] =	stream.indirect_vreg.gather [hbm4b:s5+s3], $0x80, v3, vm0, $0xb8;
	[tilespmem:$0x18400] =	vst v63  }
0x2da: {  	s9 =	simm.s32 $0x5C00  }
0x2db: {  	[tilespmem:s9], [sflag:$0x1] =	stream.indirect_vreg.gather [hbm4b:s6+s3], $0x80, v3, vm0, $0xb8;
	[tilespmem:$0x18400] =	vst v63  }
0x2dc: {  	v3 =	vld [tilespmem:$0x220];
	_ =	sdelay $0x4  }
0x2dd: {  	v34 =	vshrl.u32 v3, $0x3  }
0x2de: {  	v4 =	vmul.u32 $0x30, v34  }
0x2df: {  	v3 =	vand.u32 $0x7, v3  }
0x2e0: {  	v3 =	vor.u32 v3, v4  }
0x2e1: {  	v4 =	vperm.xlane v3, v0;
	_ =	sdelay $0x1  }
0x2e2: {  	v4 =	vadd.s32 v1, v4;
	_ =	sdelay $0x3  }
0x2e3: {  	s13 =	simm.s32 $0x6400;
	v3 =	vperm.xlane v3, v2  }
0x2e4: {  	[tilespmem:s13], [sflag:$0x1] =	stream.indirect_vreg.gather [hbm4b:s2+s3], $0x80, v4, vm0, $0xb8;
	[tilespmem:$0x18400] =	vst v63  }
0x2e5: {  	v3 =	vadd.s32 v1, v3  }
0x2e6: {  	[tilespmem:s25], [sflag:$0x1] =	stream.indirect_vreg.gather [hbm4b:s5+s3], $0x80, v4, vm0, $0xb8;
	[tilespmem:$0x18400] =	vst v63  }
0x2e7: {  	_ = 	snop  }
0x2e8: {  	[tilespmem:s26], [sflag:$0x1] =	stream.indirect_vreg.gather [hbm4b:s6+s3], $0x80, v4, vm0, $0xb8;
	[tilespmem:$0x18400] =	vst v63  }
0x2e9: {  	_ = 	snop  }
0x2ea: {  	[tilespmem:s31], [sflag:$0x1] =	stream.indirect_vreg.gather [hbm4b:s2+s3], $0x80, v3, vm0, $0xb8;
	[tilespmem:$0x18400] =	vst v63  }
0x2eb: {  	s9 =	simm.s32 $0x8400  }
0x2ec: {  	[tilespmem:s9], [sflag:$0x1] =	stream.indirect_vreg.gather [hbm4b:s5+s3], $0x80, v3, vm0, $0xb8;
	[tilespmem:$0x18400] =	vst v63  }
0x2ed: {  	s31 =	simm.s32 $0x8C00  }
0x2ee: {  	[tilespmem:s31], [sflag:$0x1] =	stream.indirect_vreg.gather [hbm4b:s6+s3], $0x80, v3, vm0, $0xb8;
	[tilespmem:$0x18400] =	vst v63  }
0x2ef: {  	v3 =	vld [tilespmem:$0x230];
	_ =	sdelay $0x4  }
0x2f0: {  	v35 =	vshrl.u32 v3, $0x3  }
0x2f1: {  	v4 =	vmul.u32 $0x30, v35  }
0x2f2: {  	v3 =	vand.u32 $0x7, v3  }
0x2f3: {  	v3 =	vor.u32 v3, v4  }
0x2f4: {  	v4 =	vperm.xlane v3, v0;
	_ =	sdelay $0x1  }
0x2f5: {  	v4 =	vadd.s32 v1, v4;
	_ =	sdelay $0x3  }
0x2f6: {  	s1 =	simm.s32 $0x9400;
	v3 =	vperm.xlane v3, v2  }
0x2f7: {  	[tilespmem:s1], [sflag:$0x1] =	stream.indirect_vreg.gather [hbm4b:s2+s3], $0x80, v4, vm0, $0xb8;
	[tilespmem:$0x18400] =	vst v63  }
0x2f8: {  	v3 =	vadd.s32 v1, v3  }
0x2f9: {  	[tilespmem:s29], [sflag:$0x1] =	stream.indirect_vreg.gather [hbm4b:s5+s3], $0x80, v4, vm0, $0xb8;
	[tilespmem:$0x18400] =	vst v63  }
0x2fa: {  	_ = 	snop  }
0x2fb: {  	[tilespmem:s30], [sflag:$0x1] =	stream.indirect_vreg.gather [hbm4b:s6+s3], $0x80, v4, vm0, $0xb8;
	[tilespmem:$0x18400] =	vst v63  }
0x2fc: {  	s13 =	simm.s32 $0xAC00  }
0x2fd: {  	[tilespmem:s13], [sflag:$0x1] =	stream.indirect_vreg.gather [hbm4b:s2+s3], $0x80, v3, vm0, $0xb8;
	[tilespmem:$0x18400] =	vst v63  }
0x2fe: {  	s25 =	simm.s32 $0xB400  }
0x2ff: {  	[tilespmem:s25], [sflag:$0x1] =	stream.indirect_vreg.gather [hbm4b:s5+s3], $0x80, v3, vm0, $0xb8;
	[tilespmem:$0x18400] =	vst v63  }
0x300: {  	s25 =	simm.s32 $0xBC00  }
0x301: {  	[tilespmem:s25], [sflag:$0x1] =	stream.indirect_vreg.gather [hbm4b:s6+s3], $0x80, v3, vm0, $0xb8;
	[tilespmem:$0x18400] =	vst v63  }
0x302: {  	s29 =	rddreg [dreg:$0xb];
	s30 =	simm.s32 $0xC400  }
0x303: {  	[hbm4b:s29+s3] =	stream.linear.scatter [tilespmem:s30], [sflag:$0x4], $0xC000, $0x38;
	[tilespmem:$0x18400] =	vst v63  }
0x304: {  	_ =	swait.ge [sflag:s4], $0xC000  }
0x305: {  	[sflag:s4] =	ssyncset.done $0x0  }
0x306: {  	[sflag:s4] =	ssyncadd.s32 $0xFFFF4000  }
0x307: {  	_ =	swait.ge [sflag:s11], $0xC000  }
0x308: {  	[sflag:s11] =	ssyncset.done $0x0  }
0x309: {  	[sflag:s11] =	ssyncadd.s32 $0xFFFF4000  }
0x30a: {  	v3 =	vld [tilespmem:$0x240];
	_ =	sdelay $0x4  }
0x30b: {  	v36 =	vshrl.u32 v3, $0x3  }
0x30c: {  	v4 =	vmul.u32 $0x30, v36  }
0x30d: {  	v3 =	vand.u32 $0x7, v3  }
0x30e: {  	v3 =	vor.u32 v3, v4  }
0x30f: {  	v4 =	vperm.xlane v3, v0;
	_ =	sdelay $0x1  }
0x310: {  	v4 =	vadd.s32 v1, v4;
	_ =	sdelay $0x3  }
0x311: {  	v3 =	vperm.xlane v3, v2  }
0x312: {  	[tilespmem:s30], [sflag:$0x2] =	stream.indirect_vreg.gather [hbm4b:s2+s3], $0x80, v4, vm0, $0xb8;
	[tilespmem:$0x18400] =	vst v63  }
0x313: {  	v3 =	vadd.s32 v1, v3  }
0x314: {  	[tilespmem:s28], [sflag:$0x2] =	stream.indirect_vreg.gather [hbm4b:s5+s3], $0x80, v4, vm0, $0xb8;
	[tilespmem:$0x18400] =	vst v63  }
0x315: {  	_ = 	snop  }
0x316: {  	[tilespmem:s8], [sflag:$0x2] =	stream.indirect_vreg.gather [hbm4b:s6+s3], $0x80, v4, vm0, $0xb8;
	[tilespmem:$0x18400] =	vst v63  }
0x317: {  	_ = 	snop  }
0x318: {  	[tilespmem:s18], [sflag:$0x2] =	stream.indirect_vreg.gather [hbm4b:s2+s3], $0x80, v3, vm0, $0xb8;
	[tilespmem:$0x18400] =	vst v63  }
0x319: {  	_ = 	snop  }
0x31a: {  	[tilespmem:s19], [sflag:$0x2] =	stream.indirect_vreg.gather [hbm4b:s5+s3], $0x80, v3, vm0, $0xb8;
	[tilespmem:$0x18400] =	vst v63  }
0x31b: {  	s28 =	simm.s32 $0xEC00  }
0x31c: {  	[tilespmem:s28], [sflag:$0x2] =	stream.indirect_vreg.gather [hbm4b:s6+s3], $0x80, v3, vm0, $0xb8;
	[tilespmem:$0x18400] =	vst v63  }
0x31d: {  	v3 =	vld [tilespmem:$0x250];
	_ =	sdelay $0x4  }
0x31e: {  	v37 =	vshrl.u32 v3, $0x3  }
0x31f: {  	v4 =	vmul.u32 $0x30, v37  }
0x320: {  	v3 =	vand.u32 $0x7, v3  }
0x321: {  	v3 =	vor.u32 v3, v4  }
0x322: {  	v4 =	vperm.xlane v3, v0;
	_ =	sdelay $0x1  }
0x323: {  	v4 =	vadd.s32 v1, v4;
	_ =	sdelay $0x3  }
0x324: {  	s18 =	simm.s32 $0xF400;
	v3 =	vperm.xlane v3, v2  }
0x325: {  	[tilespmem:s18], [sflag:$0x2] =	stream.indirect_vreg.gather [hbm4b:s2+s3], $0x80, v4, vm0, $0xb8;
	[tilespmem:$0x18400] =	vst v63  }
0x326: {  	v3 =	vadd.s32 v1, v3  }
0x327: {  	[tilespmem:s7], [sflag:$0x2] =	stream.indirect_vreg.gather [hbm4b:s5+s3], $0x80, v4, vm0, $0xb8;
	[tilespmem:$0x18400] =	vst v63  }
0x328: {  	s31 =	simm.s32 $0x10400  }
0x329: {  	[tilespmem:s31], [sflag:$0x2] =	stream.indirect_vreg.gather [hbm4b:s6+s3], $0x80, v4, vm0, $0xb8;
	[tilespmem:$0x18400] =	vst v63  }
0x32a: {  	_ = 	snop  }
0x32b: {  	[tilespmem:s20], [sflag:$0x2] =	stream.indirect_vreg.gather [hbm4b:s2+s3], $0x80, v3, vm0, $0xb8;
	[tilespmem:$0x18400] =	vst v63  }
0x32c: {  	_ = 	snop  }
0x32d: {  	[tilespmem:s21], [sflag:$0x2] =	stream.indirect_vreg.gather [hbm4b:s5+s3], $0x80, v3, vm0, $0xb8;
	[tilespmem:$0x18400] =	vst v63  }
0x32e: {  	s1 =	simm.s32 $0x11C00  }
0x32f: {  	[tilespmem:s1], [sflag:$0x2] =	stream.indirect_vreg.gather [hbm4b:s6+s3], $0x80, v3, vm0, $0xb8;
	[tilespmem:$0x18400] =	vst v63  }
0x330: {  	v3 =	vld [tilespmem:$0x260];
	_ =	sdelay $0x4  }
0x331: {  	v38 =	vshrl.u32 v3, $0x3  }
0x332: {  	v4 =	vmul.u32 $0x30, v38  }
0x333: {  	v3 =	vand.u32 $0x7, v3  }
0x334: {  	v3 =	vor.u32 v3, v4  }
0x335: {  	v4 =	vperm.xlane v3, v0;
	_ =	sdelay $0x1  }
0x336: {  	v4 =	vadd.s32 v1, v4;
	_ =	sdelay $0x3  }
0x337: {  	s19 =	simm.s32 $0x12400;
	v3 =	vperm.xlane v3, v2  }
0x338: {  	[tilespmem:s19], [sflag:$0x2] =	stream.indirect_vreg.gather [hbm4b:s2+s3], $0x80, v4, vm0, $0xb8;
	[tilespmem:$0x18400] =	vst v63  }
0x339: {  	v3 =	vadd.s32 v1, v3  }
0x33a: {  	[tilespmem:s14], [sflag:$0x2] =	stream.indirect_vreg.gather [hbm4b:s5+s3], $0x80, v4, vm0, $0xb8;
	[tilespmem:$0x18400] =	vst v63  }
0x33b: {  	_ = 	snop  }
0x33c: {  	[tilespmem:s15], [sflag:$0x2] =	stream.indirect_vreg.gather [hbm4b:s6+s3], $0x80, v4, vm0, $0xb8;
	[tilespmem:$0x18400] =	vst v63  }
0x33d: {  	_ = 	snop  }
0x33e: {  	[tilespmem:s22], [sflag:$0x2] =	stream.indirect_vreg.gather [hbm4b:s2+s3], $0x80, v3, vm0, $0xb8;
	[tilespmem:$0x18400] =	vst v63  }
0x33f: {  	_ = 	snop  }
0x340: {  	[tilespmem:s23], [sflag:$0x2] =	stream.indirect_vreg.gather [hbm4b:s5+s3], $0x80, v3, vm0, $0xb8;
	[tilespmem:$0x18400] =	vst v63  }
0x341: {  	s7 =	simm.s32 $0x14C00  }
0x342: {  	[tilespmem:s7], [sflag:$0x2] =	stream.indirect_vreg.gather [hbm4b:s6+s3], $0x80, v3, vm0, $0xb8;
	[tilespmem:$0x18400] =	vst v63  }
0x343: {  	v3 =	vld [tilespmem:$0x270];
	_ =	sdelay $0x4  }
0x344: {  	v39 =	vshrl.u32 v3, $0x3  }
0x345: {  	v4 =	vmul.u32 $0x30, v39  }
0x346: {  	v3 =	vand.u32 $0x7, v3  }
0x347: {  	v3 =	vor.u32 v3, v4  }
0x348: {  	v4 =	vperm.xlane v3, v0;
	_ =	sdelay $0x1  }
0x349: {  	v4 =	vadd.s32 v1, v4;
	_ =	sdelay $0x3  }
0x34a: {  	s15 =	simm.s32 $0x15400;
	v3 =	vperm.xlane v3, v2  }
0x34b: {  	[tilespmem:s15], [sflag:$0x2] =	stream.indirect_vreg.gather [hbm4b:s2+s3], $0x80, v4, vm0, $0xb8;
	[tilespmem:$0x18400] =	vst v63  }
0x34c: {  	v3 =	vadd.s32 v1, v3  }
0x34d: {  	[tilespmem:s16], [sflag:$0x2] =	stream.indirect_vreg.gather [hbm4b:s5+s3], $0x80, v4, vm0, $0xb8;
	[tilespmem:$0x18400] =	vst v63  }
0x34e: {  	_ = 	snop  }
0x34f: {  	[tilespmem:s17], [sflag:$0x2] =	stream.indirect_vreg.gather [hbm4b:s6+s3], $0x80, v4, vm0, $0xb8;
	[tilespmem:$0x18400] =	vst v63  }
0x350: {  	_ = 	snop  }
0x351: {  	[tilespmem:s24], [sflag:$0x2] =	stream.indirect_vreg.gather [hbm4b:s2+s3], $0x80, v3, vm0, $0xb8;
	[tilespmem:$0x18400] =	vst v63  }
0x352: {  	s8 =	simm.s32 $0x17400  }
0x353: {  	[tilespmem:s8], [sflag:$0x2] =	stream.indirect_vreg.gather [hbm4b:s5+s3], $0x80, v3, vm0, $0xb8;
	[tilespmem:$0x18400] =	vst v63  }
0x354: {  	s30 =	simm.s32 $0x17C00  }
0x355: {  	[tilespmem:s30], [sflag:$0x2] =	stream.indirect_vreg.gather [hbm4b:s6+s3], $0x80, v3, vm0, $0xb8;
	[tilespmem:$0x18400] =	vst v63  }
0x356: {  	s0 =	rddreg [dreg:$0xc];
	s14 =	simm.s32 $0x400  }
0x357: {  	[hbm4b:s0+s3] =	stream.linear.scatter [tilespmem:s14], [sflag:$0x3], $0xC000, $0x38;
	[tilespmem:$0x18400] =	vst v63  }
0x358: {  	_ =	swait.ge [sflag:s10], $0xC000  }
0x359: {  	[sflag:s10] =	ssyncset.done $0x0  }
0x35a: {  	[sflag:s10] =	ssyncadd.s32 $0xFFFF4000  }
0x35b: {  	_ =	swait.ge [sflag:s12], $0xC000  }
0x35c: {  	[sflag:s12] =	ssyncset.done $0x0  }
0x35d: {  	[sflag:s12] =	ssyncadd.s32 $0xFFFF4000  }
0x35e: {  	v3 =	vld [tilespmem:$0x280];
	_ =	sdelay $0x4  }
0x35f: {  	v40 =	vshrl.u32 v3, $0x3  }
0x360: {  	v4 =	vmul.u32 $0x30, v40  }
0x361: {  	v3 =	vand.u32 $0x7, v3  }
0x362: {  	v3 =	vor.u32 v3, v4  }
0x363: {  	v4 =	vperm.xlane v3, v0;
	_ =	sdelay $0x1  }
0x364: {  	v4 =	vadd.s32 v1, v4;
	_ =	sdelay $0x3  }
0x365: {  	v3 =	vperm.xlane v3, v2  }
0x366: {  	[tilespmem:s14], [sflag:$0x1] =	stream.indirect_vreg.gather [hbm4b:s2+s3], $0x80, v4, vm0, $0xb8;
	[tilespmem:$0x18400] =	vst v63  }
0x367: {  	s16 =	simm.s32 $0xC00;
	v3 =	vadd.s32 v1, v3  }
0x368: {  	[tilespmem:s16], [sflag:$0x1] =	stream.indirect_vreg.gather [hbm4b:s5+s3], $0x80, v4, vm0, $0xb8;
	[tilespmem:$0x18400] =	vst v63  }
0x369: {  	s17 =	simm.s32 $0x1400  }
0x36a: {  	[tilespmem:s17], [sflag:$0x1] =	stream.indirect_vreg.gather [hbm4b:s6+s3], $0x80, v4, vm0, $0xb8;
	[tilespmem:$0x18400] =	vst v63  }
0x36b: {  	s20 =	simm.s32 $0x1C00  }
0x36c: {  	[tilespmem:s20], [sflag:$0x1] =	stream.indirect_vreg.gather [hbm4b:s2+s3], $0x80, v3, vm0, $0xb8;
	[tilespmem:$0x18400] =	vst v63  }
0x36d: {  	s21 =	simm.s32 $0x2400  }
0x36e: {  	[tilespmem:s21], [sflag:$0x1] =	stream.indirect_vreg.gather [hbm4b:s5+s3], $0x80, v3, vm0, $0xb8;
	[tilespmem:$0x18400] =	vst v63  }
0x36f: {  	s22 =	simm.s32 $0x2C00  }
0x370: {  	[tilespmem:s22], [sflag:$0x1] =	stream.indirect_vreg.gather [hbm4b:s6+s3], $0x80, v3, vm0, $0xb8;
	[tilespmem:$0x18400] =	vst v63  }
0x371: {  	v3 =	vld [tilespmem:$0x290];
	_ =	sdelay $0x4  }
0x372: {  	v41 =	vshrl.u32 v3, $0x3  }
0x373: {  	v4 =	vmul.u32 $0x30, v41  }
0x374: {  	v3 =	vand.u32 $0x7, v3  }
0x375: {  	v3 =	vor.u32 v3, v4  }
0x376: {  	v4 =	vperm.xlane v3, v0;
	_ =	sdelay $0x1  }
0x377: {  	v4 =	vadd.s32 v1, v4;
	_ =	sdelay $0x3  }
0x378: {  	s23 =	simm.s32 $0x3400;
	v3 =	vperm.xlane v3, v2  }
0x379: {  	[tilespmem:s23], [sflag:$0x1] =	stream.indirect_vreg.gather [hbm4b:s2+s3], $0x80, v4, vm0, $0xb8;
	[tilespmem:$0x18400] =	vst v63  }
0x37a: {  	s24 =	simm.s32 $0x3C00;
	v3 =	vadd.s32 v1, v3  }
0x37b: {  	[tilespmem:s24], [sflag:$0x1] =	stream.indirect_vreg.gather [hbm4b:s5+s3], $0x80, v4, vm0, $0xb8;
	[tilespmem:$0x18400] =	vst v63  }
0x37c: {  	s29 =	simm.s32 $0x4400  }
0x37d: {  	[tilespmem:s29], [sflag:$0x1] =	stream.indirect_vreg.gather [hbm4b:s6+s3], $0x80, v4, vm0, $0xb8;
	[tilespmem:$0x18400] =	vst v63  }
0x37e: {  	s31 =	simm.s32 $0x4C00  }
0x37f: {  	[tilespmem:s31], [sflag:$0x1] =	stream.indirect_vreg.gather [hbm4b:s2+s3], $0x80, v3, vm0, $0xb8;
	[tilespmem:$0x18400] =	vst v63  }
0x380: {  	s14 =	simm.s32 $0x5400  }
0x381: {  	[tilespmem:s14], [sflag:$0x1] =	stream.indirect_vreg.gather [hbm4b:s5+s3], $0x80, v3, vm0, $0xb8;
	[tilespmem:$0x18400] =	vst v63  }
0x382: {  	s16 =	simm.s32 $0x5C00  }
0x383: {  	[tilespmem:s16], [sflag:$0x1] =	stream.indirect_vreg.gather [hbm4b:s6+s3], $0x80, v3, vm0, $0xb8;
	[tilespmem:$0x18400] =	vst v63  }
0x384: {  	v3 =	vld [tilespmem:$0x2A0];
	_ =	sdelay $0x4  }
0x385: {  	v42 =	vshrl.u32 v3, $0x3  }
0x386: {  	v4 =	vmul.u32 $0x30, v42  }
0x387: {  	v3 =	vand.u32 $0x7, v3  }
0x388: {  	v3 =	vor.u32 v3, v4  }
0x389: {  	v4 =	vperm.xlane v3, v0;
	_ =	sdelay $0x1  }
0x38a: {  	v4 =	vadd.s32 v1, v4;
	_ =	sdelay $0x3  }
0x38b: {  	s17 =	simm.s32 $0x6400;
	v3 =	vperm.xlane v3, v2  }
0x38c: {  	[tilespmem:s17], [sflag:$0x1] =	stream.indirect_vreg.gather [hbm4b:s2+s3], $0x80, v4, vm0, $0xb8;
	[tilespmem:$0x18400] =	vst v63  }
0x38d: {  	s29 =	simm.s32 $0x6C00;
	v3 =	vadd.s32 v1, v3  }
0x38e: {  	[tilespmem:s29], [sflag:$0x1] =	stream.indirect_vreg.gather [hbm4b:s5+s3], $0x80, v4, vm0, $0xb8;
	[tilespmem:$0x18400] =	vst v63  }
0x38f: {  	s26 =	simm.s32 $0x7400  }
0x390: {  	[tilespmem:s26], [sflag:$0x1] =	stream.indirect_vreg.gather [hbm4b:s6+s3], $0x80, v4, vm0, $0xb8;
	[tilespmem:$0x18400] =	vst v63  }
0x391: {  	s14 =	simm.s32 $0x7C00  }
0x392: {  	[tilespmem:s14], [sflag:$0x1] =	stream.indirect_vreg.gather [hbm4b:s2+s3], $0x80, v3, vm0, $0xb8;
	[tilespmem:$0x18400] =	vst v63  }
0x393: {  	_ = 	snop  }
0x394: {  	[tilespmem:s9], [sflag:$0x1] =	stream.indirect_vreg.gather [hbm4b:s5+s3], $0x80, v3, vm0, $0xb8;
	[tilespmem:$0x18400] =	vst v63  }
0x395: {  	s9 =	simm.s32 $0x8C00  }
0x396: {  	[tilespmem:s9], [sflag:$0x1] =	stream.indirect_vreg.gather [hbm4b:s6+s3], $0x80, v3, vm0, $0xb8;
	[tilespmem:$0x18400] =	vst v63  }
0x397: {  	v3 =	vld [tilespmem:$0x2B0];
	_ =	sdelay $0x4  }
0x398: {  	v43 =	vshrl.u32 v3, $0x3  }
0x399: {  	v4 =	vmul.u32 $0x30, v43  }
0x39a: {  	v3 =	vand.u32 $0x7, v3  }
0x39b: {  	v3 =	vor.u32 v3, v4  }
0x39c: {  	v4 =	vperm.xlane v3, v0;
	_ =	sdelay $0x1  }
0x39d: {  	v4 =	vadd.s32 v1, v4;
	_ =	sdelay $0x3  }
0x39e: {  	s24 =	simm.s32 $0x9400;
	v3 =	vperm.xlane v3, v2  }
0x39f: {  	[tilespmem:s24], [sflag:$0x1] =	stream.indirect_vreg.gather [hbm4b:s2+s3], $0x80, v4, vm0, $0xb8;
	[tilespmem:$0x18400] =	vst v63  }
0x3a0: {  	s31 =	simm.s32 $0x9C00;
	v3 =	vadd.s32 v1, v3  }
0x3a1: {  	[tilespmem:s31], [sflag:$0x1] =	stream.indirect_vreg.gather [hbm4b:s5+s3], $0x80, v4, vm0, $0xb8;
	[tilespmem:$0x18400] =	vst v63  }
0x3a2: {  	s20 =	simm.s32 $0xA400  }
0x3a3: {  	[tilespmem:s20], [sflag:$0x1] =	stream.indirect_vreg.gather [hbm4b:s6+s3], $0x80, v4, vm0, $0xb8;
	[tilespmem:$0x18400] =	vst v63  }
0x3a4: {  	s21 =	simm.s32 $0xAC00  }
0x3a5: {  	[tilespmem:s21], [sflag:$0x1] =	stream.indirect_vreg.gather [hbm4b:s2+s3], $0x80, v3, vm0, $0xb8;
	[tilespmem:$0x18400] =	vst v63  }
0x3a6: {  	s22 =	simm.s32 $0xB400  }
0x3a7: {  	[tilespmem:s22], [sflag:$0x1] =	stream.indirect_vreg.gather [hbm4b:s5+s3], $0x80, v3, vm0, $0xb8;
	[tilespmem:$0x18400] =	vst v63  }
0x3a8: {  	_ = 	snop  }
0x3a9: {  	[tilespmem:s25], [sflag:$0x1] =	stream.indirect_vreg.gather [hbm4b:s6+s3], $0x80, v3, vm0, $0xb8;
	[tilespmem:$0x18400] =	vst v63  }
0x3aa: {  	s23 =	rddreg [dreg:$0xd];
	s25 =	simm.s32 $0xC400  }
0x3ab: {  	[hbm4b:s23+s3] =	stream.linear.scatter [tilespmem:s25], [sflag:$0x4], $0xC000, $0x38;
	[tilespmem:$0x18400] =	vst v63  }
0x3ac: {  	_ =	swait.ge [sflag:s4], $0xC000  }
0x3ad: {  	[sflag:s4] =	ssyncset.done $0x0  }
0x3ae: {  	[sflag:s4] =	ssyncadd.s32 $0xFFFF4000  }
0x3af: {  	_ =	swait.ge [sflag:s11], $0xC000  }
0x3b0: {  	[sflag:s11] =	ssyncset.done $0x0  }
0x3b1: {  	[sflag:s11] =	ssyncadd.s32 $0xFFFF4000  }
0x3b2: {  	v3 =	vld [tilespmem:$0x2C0];
	_ =	sdelay $0x4  }
0x3b3: {  	v44 =	vshrl.u32 v3, $0x3  }
0x3b4: {  	v4 =	vmul.u32 $0x30, v44  }
0x3b5: {  	v3 =	vand.u32 $0x7, v3  }
0x3b6: {  	v3 =	vor.u32 v3, v4  }
0x3b7: {  	v4 =	vperm.xlane v3, v0;
	_ =	sdelay $0x1  }
0x3b8: {  	v4 =	vadd.s32 v1, v4;
	_ =	sdelay $0x3  }
0x3b9: {  	v3 =	vperm.xlane v3, v2  }
0x3ba: {  	[tilespmem:s25], [sflag:$0x2] =	stream.indirect_vreg.gather [hbm4b:s2+s3], $0x80, v4, vm0, $0xb8;
	[tilespmem:$0x18400] =	vst v63  }
0x3bb: {  	s17 =	simm.s32 $0xCC00;
	v3 =	vadd.s32 v1, v3  }
0x3bc: {  	[tilespmem:s17], [sflag:$0x2] =	stream.indirect_vreg.gather [hbm4b:s5+s3], $0x80, v4, vm0, $0xb8;
	[tilespmem:$0x18400] =	vst v63  }
0x3bd: {  	s16 =	simm.s32 $0xD400  }
0x3be: {  	[tilespmem:s16], [sflag:$0x2] =	stream.indirect_vreg.gather [hbm4b:s6+s3], $0x80, v4, vm0, $0xb8;
	[tilespmem:$0x18400] =	vst v63  }
0x3bf: {  	s20 =	simm.s32 $0xDC00  }
0x3c0: {  	[tilespmem:s20], [sflag:$0x2] =	stream.indirect_vreg.gather [hbm4b:s2+s3], $0x80, v3, vm0, $0xb8;
	[tilespmem:$0x18400] =	vst v63  }
0x3c1: {  	s21 =	simm.s32 $0xE400  }
0x3c2: {  	[tilespmem:s21], [sflag:$0x2] =	stream.indirect_vreg.gather [hbm4b:s5+s3], $0x80, v3, vm0, $0xb8;
	[tilespmem:$0x18400] =	vst v63  }
0x3c3: {  	_ = 	snop  }
0x3c4: {  	[tilespmem:s28], [sflag:$0x2] =	stream.indirect_vreg.gather [hbm4b:s6+s3], $0x80, v3, vm0, $0xb8;
	[tilespmem:$0x18400] =	vst v63  }
0x3c5: {  	v3 =	vld [tilespmem:$0x2D0];
	_ =	sdelay $0x4  }
0x3c6: {  	v45 =	vshrl.u32 v3, $0x3  }
0x3c7: {  	v4 =	vmul.u32 $0x30, v45  }
0x3c8: {  	v3 =	vand.u32 $0x7, v3  }
0x3c9: {  	v3 =	vor.u32 v3, v4  }
0x3ca: {  	v4 =	vperm.xlane v3, v0;
	_ =	sdelay $0x1  }
0x3cb: {  	v4 =	vadd.s32 v1, v4;
	_ =	sdelay $0x3  }
0x3cc: {  	v3 =	vperm.xlane v3, v2  }
0x3cd: {  	[tilespmem:s18], [sflag:$0x2] =	stream.indirect_vreg.gather [hbm4b:s2+s3], $0x80, v4, vm0, $0xb8;
	[tilespmem:$0x18400] =	vst v63  }
0x3ce: {  	s26 =	simm.s32 $0xFC00;
	v3 =	vadd.s32 v1, v3  }
0x3cf: {  	[tilespmem:s26], [sflag:$0x2] =	stream.indirect_vreg.gather [hbm4b:s5+s3], $0x80, v4, vm0, $0xb8;
	[tilespmem:$0x18400] =	vst v63  }
0x3d0: {  	s18 =	simm.s32 $0x10400  }
0x3d1: {  	[tilespmem:s18], [sflag:$0x2] =	stream.indirect_vreg.gather [hbm4b:s6+s3], $0x80, v4, vm0, $0xb8;
	[tilespmem:$0x18400] =	vst v63  }
0x3d2: {  	s22 =	simm.s32 $0x10C00  }
0x3d3: {  	[tilespmem:s22], [sflag:$0x2] =	stream.indirect_vreg.gather [hbm4b:s2+s3], $0x80, v3, vm0, $0xb8;
	[tilespmem:$0x18400] =	vst v63  }
0x3d4: {  	s23 =	simm.s32 $0x11400  }
0x3d5: {  	[tilespmem:s23], [sflag:$0x2] =	stream.indirect_vreg.gather [hbm4b:s5+s3], $0x80, v3, vm0, $0xb8;
	[tilespmem:$0x18400] =	vst v63  }
0x3d6: {  	_ = 	snop  }
0x3d7: {  	[tilespmem:s1], [sflag:$0x2] =	stream.indirect_vreg.gather [hbm4b:s6+s3], $0x80, v3, vm0, $0xb8;
	[tilespmem:$0x18400] =	vst v63  }
0x3d8: {  	v3 =	vld [tilespmem:$0x2E0];
	_ =	sdelay $0x4  }
0x3d9: {  	v46 =	vshrl.u32 v3, $0x3  }
0x3da: {  	v4 =	vmul.u32 $0x30, v46  }
0x3db: {  	v3 =	vand.u32 $0x7, v3  }
0x3dc: {  	v3 =	vor.u32 v3, v4  }
0x3dd: {  	v4 =	vperm.xlane v3, v0;
	_ =	sdelay $0x1  }
0x3de: {  	v4 =	vadd.s32 v1, v4;
	_ =	sdelay $0x3  }
0x3df: {  	v3 =	vperm.xlane v3, v2  }
0x3e0: {  	[tilespmem:s19], [sflag:$0x2] =	stream.indirect_vreg.gather [hbm4b:s2+s3], $0x80, v4, vm0, $0xb8;
	[tilespmem:$0x18400] =	vst v63  }
0x3e1: {  	s1 =	simm.s32 $0x12C00;
	v3 =	vadd.s32 v1, v3  }
0x3e2: {  	[tilespmem:s1], [sflag:$0x2] =	stream.indirect_vreg.gather [hbm4b:s5+s3], $0x80, v4, vm0, $0xb8;
	[tilespmem:$0x18400] =	vst v63  }
0x3e3: {  	s19 =	simm.s32 $0x13400  }
0x3e4: {  	[tilespmem:s19], [sflag:$0x2] =	stream.indirect_vreg.gather [hbm4b:s6+s3], $0x80, v4, vm0, $0xb8;
	[tilespmem:$0x18400] =	vst v63  }
0x3e5: {  	s25 =	simm.s32 $0x13C00  }
0x3e6: {  	[tilespmem:s25], [sflag:$0x2] =	stream.indirect_vreg.gather [hbm4b:s2+s3], $0x80, v3, vm0, $0xb8;
	[tilespmem:$0x18400] =	vst v63  }
0x3e7: {  	s26 =	simm.s32 $0x14400  }
0x3e8: {  	[tilespmem:s26], [sflag:$0x2] =	stream.indirect_vreg.gather [hbm4b:s5+s3], $0x80, v3, vm0, $0xb8;
	[tilespmem:$0x18400] =	vst v63  }
0x3e9: {  	_ = 	snop  }
0x3ea: {  	[tilespmem:s7], [sflag:$0x2] =	stream.indirect_vreg.gather [hbm4b:s6+s3], $0x80, v3, vm0, $0xb8;
	[tilespmem:$0x18400] =	vst v63  }
0x3eb: {  	v3 =	vld [tilespmem:$0x2F0];
	_ =	sdelay $0x4  }
0x3ec: {  	v47 =	vshrl.u32 v3, $0x3  }
0x3ed: {  	v4 =	vmul.u32 $0x30, v47  }
0x3ee: {  	v3 =	vand.u32 $0x7, v3  }
0x3ef: {  	v3 =	vor.u32 v3, v4  }
0x3f0: {  	v4 =	vperm.xlane v3, v0;
	_ =	sdelay $0x1  }
0x3f1: {  	v4 =	vadd.s32 v1, v4;
	_ =	sdelay $0x3  }
0x3f2: {  	v3 =	vperm.xlane v3, v2  }
0x3f3: {  	[tilespmem:s15], [sflag:$0x2] =	stream.indirect_vreg.gather [hbm4b:s2+s3], $0x80, v4, vm0, $0xb8;
	[tilespmem:$0x18400] =	vst v63  }
0x3f4: {  	s28 =	simm.s32 $0x15C00;
	v3 =	vadd.s32 v1, v3  }
0x3f5: {  	[tilespmem:s28], [sflag:$0x2] =	stream.indirect_vreg.gather [hbm4b:s5+s3], $0x80, v4, vm0, $0xb8;
	[tilespmem:$0x18400] =	vst v63  }
0x3f6: {  	s15 =	simm.s32 $0x16400  }
0x3f7: {  	[tilespmem:s15], [sflag:$0x2] =	stream.indirect_vreg.gather [hbm4b:s6+s3], $0x80, v4, vm0, $0xb8;
	[tilespmem:$0x18400] =	vst v63  }
0x3f8: {  	s28 =	simm.s32 $0x16C00  }
0x3f9: {  	[tilespmem:s28], [sflag:$0x2] =	stream.indirect_vreg.gather [hbm4b:s2+s3], $0x80, v3, vm0, $0xb8;
	[tilespmem:$0x18400] =	vst v63  }
0x3fa: {  	_ = 	snop  }
0x3fb: {  	[tilespmem:s8], [sflag:$0x2] =	stream.indirect_vreg.gather [hbm4b:s5+s3], $0x80, v3, vm0, $0xb8;
	[tilespmem:$0x18400] =	vst v63  }
0x3fc: {  	_ = 	snop  }
0x3fd: {  	[tilespmem:s30], [sflag:$0x2] =	stream.indirect_vreg.gather [hbm4b:s6+s3], $0x80, v3, vm0, $0xb8;
	[tilespmem:$0x18400] =	vst v63  }
0x3fe: {  	s0 =	simm.s32 $0x400;
	s7 =	rddreg [dreg:$0xe]  }
0x3ff: {  	[hbm4b:s7+s3] =	stream.linear.scatter [tilespmem:s0], [sflag:$0x3], $0xC000, $0x38;
	[tilespmem:$0x18400] =	vst v63  }
0x400: {  	_ =	swait.ge [sflag:s10], $0xC000  }
0x401: {  	[sflag:s10] =	ssyncset.done $0x0  }
0x402: {  	[sflag:s10] =	ssyncadd.s32 $0xFFFF4000  }
0x403: {  	_ =	swait.ge [sflag:s12], $0xC000  }
0x404: {  	[sflag:s12] =	ssyncset.done $0x0  }
0x405: {  	[sflag:s12] =	ssyncadd.s32 $0xFFFF4000  }
0x406: {  	v3 =	vld [tilespmem:$0x300];
	_ =	sdelay $0x4  }
0x407: {  	v48 =	vshrl.u32 v3, $0x3  }
0x408: {  	v4 =	vmul.u32 $0x30, v48  }
0x409: {  	v3 =	vand.u32 $0x7, v3  }
0x40a: {  	v3 =	vor.u32 v3, v4  }
0x40b: {  	v4 =	vperm.xlane v3, v0;
	_ =	sdelay $0x1  }
0x40c: {  	v4 =	vadd.s32 v1, v4;
	_ =	sdelay $0x3  }
0x40d: {  	v3 =	vperm.xlane v3, v2  }
0x40e: {  	[tilespmem:s0], [sflag:$0x1] =	stream.indirect_vreg.gather [hbm4b:s2+s3], $0x80, v4, vm0, $0xb8;
	[tilespmem:$0x18400] =	vst v63  }
0x40f: {  	s8 =	simm.s32 $0xC00;
	v3 =	vadd.s32 v1, v3  }
0x410: {  	[tilespmem:s8], [sflag:$0x1] =	stream.indirect_vreg.gather [hbm4b:s5+s3], $0x80, v4, vm0, $0xb8;
	[tilespmem:$0x18400] =	vst v63  }
0x411: {  	s13 =	simm.s32 $0x1400  }
0x412: {  	[tilespmem:s13], [sflag:$0x1] =	stream.indirect_vreg.gather [hbm4b:s6+s3], $0x80, v4, vm0, $0xb8;
	[tilespmem:$0x18400] =	vst v63  }
0x413: {  	s30 =	simm.s32 $0x1C00  }
0x414: {  	[tilespmem:s30], [sflag:$0x1] =	stream.indirect_vreg.gather [hbm4b:s2+s3], $0x80, v3, vm0, $0xb8;
	[tilespmem:$0x18400] =	vst v63  }
0x415: {  	s7 =	simm.s32 $0x2400  }
0x416: {  	[tilespmem:s7], [sflag:$0x1] =	stream.indirect_vreg.gather [hbm4b:s5+s3], $0x80, v3, vm0, $0xb8;
	[tilespmem:$0x18400] =	vst v63  }
0x417: {  	s8 =	simm.s32 $0x2C00  }
0x418: {  	[tilespmem:s8], [sflag:$0x1] =	stream.indirect_vreg.gather [hbm4b:s6+s3], $0x80, v3, vm0, $0xb8;
	[tilespmem:$0x18400] =	vst v63  }
0x419: {  	v3 =	vld [tilespmem:$0x310];
	_ =	sdelay $0x4  }
0x41a: {  	v49 =	vshrl.u32 v3, $0x3  }
0x41b: {  	v4 =	vmul.u32 $0x30, v49  }
0x41c: {  	v3 =	vand.u32 $0x7, v3  }
0x41d: {  	v3 =	vor.u32 v3, v4  }
0x41e: {  	v4 =	vperm.xlane v3, v0;
	_ =	sdelay $0x1  }
0x41f: {  	v4 =	vadd.s32 v1, v4;
	_ =	sdelay $0x3  }
0x420: {  	s13 =	simm.s32 $0x3400;
	v3 =	vperm.xlane v3, v2  }
0x421: {  	[tilespmem:s13], [sflag:$0x1] =	stream.indirect_vreg.gather [hbm4b:s2+s3], $0x80, v4, vm0, $0xb8;
	[tilespmem:$0x18400] =	vst v63  }
0x422: {  	s30 =	simm.s32 $0x3C00;
	v3 =	vadd.s32 v1, v3  }
0x423: {  	[tilespmem:s30], [sflag:$0x1] =	stream.indirect_vreg.gather [hbm4b:s5+s3], $0x80, v4, vm0, $0xb8;
	[tilespmem:$0x18400] =	vst v63  }
0x424: {  	s7 =	simm.s32 $0x4400  }
0x425: {  	[tilespmem:s7], [sflag:$0x1] =	stream.indirect_vreg.gather [hbm4b:s6+s3], $0x80, v4, vm0, $0xb8;
	[tilespmem:$0x18400] =	vst v63  }
0x426: {  	s8 =	simm.s32 $0x4C00  }
0x427: {  	[tilespmem:s8], [sflag:$0x1] =	stream.indirect_vreg.gather [hbm4b:s2+s3], $0x80, v3, vm0, $0xb8;
	[tilespmem:$0x18400] =	vst v63  }
0x428: {  	s13 =	simm.s32 $0x5400  }
0x429: {  	[tilespmem:s13], [sflag:$0x1] =	stream.indirect_vreg.gather [hbm4b:s5+s3], $0x80, v3, vm0, $0xb8;
	[tilespmem:$0x18400] =	vst v63  }
0x42a: {  	s30 =	simm.s32 $0x5C00  }
0x42b: {  	[tilespmem:s30], [sflag:$0x1] =	stream.indirect_vreg.gather [hbm4b:s6+s3], $0x80, v3, vm0, $0xb8;
	[tilespmem:$0x18400] =	vst v63  }
0x42c: {  	v3 =	vld [tilespmem:$0x320];
	_ =	sdelay $0x4  }
0x42d: {  	v50 =	vshrl.u32 v3, $0x3  }
0x42e: {  	v4 =	vmul.u32 $0x30, v50  }
0x42f: {  	v3 =	vand.u32 $0x7, v3  }
0x430: {  	v3 =	vor.u32 v3, v4  }
0x431: {  	v4 =	vperm.xlane v3, v0;
	_ =	sdelay $0x1  }
0x432: {  	v4 =	vadd.s32 v1, v4;
	_ =	sdelay $0x3  }
0x433: {  	s7 =	simm.s32 $0x6400;
	v3 =	vperm.xlane v3, v2  }
0x434: {  	[tilespmem:s7], [sflag:$0x1] =	stream.indirect_vreg.gather [hbm4b:s2+s3], $0x80, v4, vm0, $0xb8;
	[tilespmem:$0x18400] =	vst v63  }
0x435: {  	v3 =	vadd.s32 v1, v3  }
0x436: {  	[tilespmem:s29], [sflag:$0x1] =	stream.indirect_vreg.gather [hbm4b:s5+s3], $0x80, v4, vm0, $0xb8;
	[tilespmem:$0x18400] =	vst v63  }
0x437: {  	s8 =	simm.s32 $0x7400  }
0x438: {  	[tilespmem:s8], [sflag:$0x1] =	stream.indirect_vreg.gather [hbm4b:s6+s3], $0x80, v4, vm0, $0xb8;
	[tilespmem:$0x18400] =	vst v63  }
0x439: {  	_ = 	snop  }
0x43a: {  	[tilespmem:s14], [sflag:$0x1] =	stream.indirect_vreg.gather [hbm4b:s2+s3], $0x80, v3, vm0, $0xb8;
	[tilespmem:$0x18400] =	vst v63  }
0x43b: {  	s13 =	simm.s32 $0x8400  }
0x43c: {  	[tilespmem:s13], [sflag:$0x1] =	stream.indirect_vreg.gather [hbm4b:s5+s3], $0x80, v3, vm0, $0xb8;
	[tilespmem:$0x18400] =	vst v63  }
0x43d: {  	_ = 	snop  }
0x43e: {  	[tilespmem:s9], [sflag:$0x1] =	stream.indirect_vreg.gather [hbm4b:s6+s3], $0x80, v3, vm0, $0xb8;
	[tilespmem:$0x18400] =	vst v63  }
0x43f: {  	v3 =	vld [tilespmem:$0x330];
	_ =	sdelay $0x4  }
0x440: {  	v51 =	vshrl.u32 v3, $0x3  }
0x441: {  	v4 =	vmul.u32 $0x30, v51  }
0x442: {  	v3 =	vand.u32 $0x7, v3  }
0x443: {  	v3 =	vor.u32 v3, v4  }
0x444: {  	v4 =	vperm.xlane v3, v0;
	_ =	sdelay $0x1  }
0x445: {  	v4 =	vadd.s32 v1, v4;
	_ =	sdelay $0x3  }
0x446: {  	v3 =	vperm.xlane v3, v2  }
0x447: {  	[tilespmem:s24], [sflag:$0x1] =	stream.indirect_vreg.gather [hbm4b:s2+s3], $0x80, v4, vm0, $0xb8;
	[tilespmem:$0x18400] =	vst v63  }
0x448: {  	v3 =	vadd.s32 v1, v3  }
0x449: {  	[tilespmem:s31], [sflag:$0x1] =	stream.indirect_vreg.gather [hbm4b:s5+s3], $0x80, v4, vm0, $0xb8;
	[tilespmem:$0x18400] =	vst v63  }
0x44a: {  	s14 =	simm.s32 $0xA400  }
0x44b: {  	[tilespmem:s14], [sflag:$0x1] =	stream.indirect_vreg.gather [hbm4b:s6+s3], $0x80, v4, vm0, $0xb8;
	[tilespmem:$0x18400] =	vst v63  }
0x44c: {  	s0 =	simm.s32 $0xAC00  }
0x44d: {  	[tilespmem:s0], [sflag:$0x1] =	stream.indirect_vreg.gather [hbm4b:s2+s3], $0x80, v3, vm0, $0xb8;
	[tilespmem:$0x18400] =	vst v63  }
0x44e: {  	s7 =	simm.s32 $0xB400  }
0x44f: {  	[tilespmem:s7], [sflag:$0x1] =	stream.indirect_vreg.gather [hbm4b:s5+s3], $0x80, v3, vm0, $0xb8;
	[tilespmem:$0x18400] =	vst v63  }
0x450: {  	s9 =	simm.s32 $0xBC00  }
0x451: {  	[tilespmem:s9], [sflag:$0x1] =	stream.indirect_vreg.gather [hbm4b:s6+s3], $0x80, v3, vm0, $0xb8;
	[tilespmem:$0x18400] =	vst v63  }
0x452: {  	s8 =	rddreg [dreg:$0xf];
	s14 =	simm.s32 $0xC400  }
0x453: {  	[hbm4b:s8+s3] =	stream.linear.scatter [tilespmem:s14], [sflag:$0x4], $0xC000, $0x38;
	[tilespmem:$0x18400] =	vst v63  }
0x454: {  	_ =	swait.ge [sflag:s4], $0xC000  }
0x455: {  	[sflag:s4] =	ssyncset.done $0x0  }
0x456: {  	[sflag:s4] =	ssyncadd.s32 $0xFFFF4000  }
0x457: {  	_ =	swait.ge [sflag:s11], $0xC000  }
0x458: {  	[sflag:s11] =	ssyncset.done $0x0  }
0x459: {  	[sflag:s11] =	ssyncadd.s32 $0xFFFF4000  }
0x45a: {  	v3 =	vld [tilespmem:$0x340];
	_ =	sdelay $0x4  }
0x45b: {  	v52 =	vshrl.u32 v3, $0x3  }
0x45c: {  	v4 =	vmul.u32 $0x30, v52  }
0x45d: {  	v3 =	vand.u32 $0x7, v3  }
0x45e: {  	v3 =	vor.u32 v3, v4  }
0x45f: {  	v4 =	vperm.xlane v3, v0;
	_ =	sdelay $0x1  }
0x460: {  	v4 =	vadd.s32 v1, v4;
	_ =	sdelay $0x3  }
0x461: {  	v3 =	vperm.xlane v3, v2  }
0x462: {  	[tilespmem:s14], [sflag:$0x2] =	stream.indirect_vreg.gather [hbm4b:s2+s3], $0x80, v4, vm0, $0xb8;
	[tilespmem:$0x18400] =	vst v63  }
0x463: {  	v3 =	vadd.s32 v1, v3  }
0x464: {  	[tilespmem:s17], [sflag:$0x2] =	stream.indirect_vreg.gather [hbm4b:s5+s3], $0x80, v4, vm0, $0xb8;
	[tilespmem:$0x18400] =	vst v63  }
0x465: {  	_ = 	snop  }
0x466: {  	[tilespmem:s16], [sflag:$0x2] =	stream.indirect_vreg.gather [hbm4b:s6+s3], $0x80, v4, vm0, $0xb8;
	[tilespmem:$0x18400] =	vst v63  }
0x467: {  	_ = 	snop  }
0x468: {  	[tilespmem:s20], [sflag:$0x2] =	stream.indirect_vreg.gather [hbm4b:s2+s3], $0x80, v3, vm0, $0xb8;
	[tilespmem:$0x18400] =	vst v63  }
0x469: {  	_ = 	snop  }
0x46a: {  	[tilespmem:s21], [sflag:$0x2] =	stream.indirect_vreg.gather [hbm4b:s5+s3], $0x80, v3, vm0, $0xb8;
	[tilespmem:$0x18400] =	vst v63  }
0x46b: {  	s7 =	simm.s32 $0xEC00  }
0x46c: {  	[tilespmem:s7], [sflag:$0x2] =	stream.indirect_vreg.gather [hbm4b:s6+s3], $0x80, v3, vm0, $0xb8;
	[tilespmem:$0x18400] =	vst v63  }
0x46d: {  	v3 =	vld [tilespmem:$0x350];
	_ =	sdelay $0x4  }
0x46e: {  	v53 =	vshrl.u32 v3, $0x3  }
0x46f: {  	v4 =	vmul.u32 $0x30, v53  }
0x470: {  	v3 =	vand.u32 $0x7, v3  }
0x471: {  	v3 =	vor.u32 v3, v4  }
0x472: {  	v4 =	vperm.xlane v3, v0;
	_ =	sdelay $0x1  }
0x473: {  	v4 =	vadd.s32 v1, v4;
	_ =	sdelay $0x3  }
0x474: {  	s9 =	simm.s32 $0xF400;
	v3 =	vperm.xlane v3, v2  }
0x475: {  	[tilespmem:s9], [sflag:$0x2] =	stream.indirect_vreg.gather [hbm4b:s2+s3], $0x80, v4, vm0, $0xb8;
	[tilespmem:$0x18400] =	vst v63  }
0x476: {  	s21 =	simm.s32 $0xFC00;
	v3 =	vadd.s32 v1, v3  }
0x477: {  	[tilespmem:s21], [sflag:$0x2] =	stream.indirect_vreg.gather [hbm4b:s5+s3], $0x80, v4, vm0, $0xb8;
	[tilespmem:$0x18400] =	vst v63  }
0x478: {  	_ = 	snop  }
0x479: {  	[tilespmem:s18], [sflag:$0x2] =	stream.indirect_vreg.gather [hbm4b:s6+s3], $0x80, v4, vm0, $0xb8;
	[tilespmem:$0x18400] =	vst v63  }
0x47a: {  	_ = 	snop  }
0x47b: {  	[tilespmem:s22], [sflag:$0x2] =	stream.indirect_vreg.gather [hbm4b:s2+s3], $0x80, v3, vm0, $0xb8;
	[tilespmem:$0x18400] =	vst v63  }
0x47c: {  	_ = 	snop  }
0x47d: {  	[tilespmem:s23], [sflag:$0x2] =	stream.indirect_vreg.gather [hbm4b:s5+s3], $0x80, v3, vm0, $0xb8;
	[tilespmem:$0x18400] =	vst v63  }
0x47e: {  	s8 =	simm.s32 $0x11C00  }
0x47f: {  	[tilespmem:s8], [sflag:$0x2] =	stream.indirect_vreg.gather [hbm4b:s6+s3], $0x80, v3, vm0, $0xb8;
	[tilespmem:$0x18400] =	vst v63  }
0x480: {  	v3 =	vld [tilespmem:$0x360];
	_ =	sdelay $0x4  }
0x481: {  	v54 =	vshrl.u32 v3, $0x3  }
0x482: {  	v4 =	vmul.u32 $0x30, v54  }
0x483: {  	v3 =	vand.u32 $0x7, v3  }
0x484: {  	v3 =	vor.u32 v3, v4  }
0x485: {  	v4 =	vperm.xlane v3, v0;
	_ =	sdelay $0x1  }
0x486: {  	v4 =	vadd.s32 v1, v4;
	_ =	sdelay $0x3  }
0x487: {  	s23 =	simm.s32 $0x12400;
	v3 =	vperm.xlane v3, v2  }
0x488: {  	[tilespmem:s23], [sflag:$0x2] =	stream.indirect_vreg.gather [hbm4b:s2+s3], $0x80, v4, vm0, $0xb8;
	[tilespmem:$0x18400] =	vst v63  }
0x489: {  	v3 =	vadd.s32 v1, v3  }
0x48a: {  	[tilespmem:s1], [sflag:$0x2] =	stream.indirect_vreg.gather [hbm4b:s5+s3], $0x80, v4, vm0, $0xb8;
	[tilespmem:$0x18400] =	vst v63  }
0x48b: {  	_ = 	snop  }
0x48c: {  	[tilespmem:s19], [sflag:$0x2] =	stream.indirect_vreg.gather [hbm4b:s6+s3], $0x80, v4, vm0, $0xb8;
	[tilespmem:$0x18400] =	vst v63  }
0x48d: {  	_ = 	snop  }
0x48e: {  	[tilespmem:s25], [sflag:$0x2] =	stream.indirect_vreg.gather [hbm4b:s2+s3], $0x80, v3, vm0, $0xb8;
	[tilespmem:$0x18400] =	vst v63  }
0x48f: {  	_ = 	snop  }
0x490: {  	[tilespmem:s26], [sflag:$0x2] =	stream.indirect_vreg.gather [hbm4b:s5+s3], $0x80, v3, vm0, $0xb8;
	[tilespmem:$0x18400] =	vst v63  }
0x491: {  	s1 =	simm.s32 $0x14C00  }
0x492: {  	[tilespmem:s1], [sflag:$0x2] =	stream.indirect_vreg.gather [hbm4b:s6+s3], $0x80, v3, vm0, $0xb8;
	[tilespmem:$0x18400] =	vst v63  }
0x493: {  	v3 =	vld [tilespmem:$0x370];
	_ =	sdelay $0x4  }
0x494: {  	v55 =	vshrl.u32 v3, $0x3  }
0x495: {  	v4 =	vmul.u32 $0x30, v55  }
0x496: {  	v3 =	vand.u32 $0x7, v3  }
0x497: {  	v3 =	vor.u32 v3, v4  }
0x498: {  	v4 =	vperm.xlane v3, v0;
	_ =	sdelay $0x1  }
0x499: {  	v4 =	vadd.s32 v1, v4;
	_ =	sdelay $0x3  }
0x49a: {  	s13 =	simm.s32 $0x15400;
	v3 =	vperm.xlane v3, v2  }
0x49b: {  	[tilespmem:s13], [sflag:$0x2] =	stream.indirect_vreg.gather [hbm4b:s2+s3], $0x80, v4, vm0, $0xb8;
	[tilespmem:$0x18400] =	vst v63  }
0x49c: {  	s26 =	simm.s32 $0x15C00;
	v3 =	vadd.s32 v1, v3  }
0x49d: {  	[tilespmem:s26], [sflag:$0x2] =	stream.indirect_vreg.gather [hbm4b:s5+s3], $0x80, v4, vm0, $0xb8;
	[tilespmem:$0x18400] =	vst v63  }
0x49e: {  	_ = 	snop  }
0x49f: {  	[tilespmem:s15], [sflag:$0x2] =	stream.indirect_vreg.gather [hbm4b:s6+s3], $0x80, v4, vm0, $0xb8;
	[tilespmem:$0x18400] =	vst v63  }
0x4a0: {  	_ = 	snop  }
0x4a1: {  	[tilespmem:s28], [sflag:$0x2] =	stream.indirect_vreg.gather [hbm4b:s2+s3], $0x80, v3, vm0, $0xb8;
	[tilespmem:$0x18400] =	vst v63  }
0x4a2: {  	s1 =	simm.s32 $0x17400  }
0x4a3: {  	[tilespmem:s1], [sflag:$0x2] =	stream.indirect_vreg.gather [hbm4b:s5+s3], $0x80, v3, vm0, $0xb8;
	[tilespmem:$0x18400] =	vst v63  }
0x4a4: {  	s28 =	simm.s32 $0x17C00  }
0x4a5: {  	[tilespmem:s28], [sflag:$0x2] =	stream.indirect_vreg.gather [hbm4b:s6+s3], $0x80, v3, vm0, $0xb8;
	[tilespmem:$0x18400] =	vst v63  }
0x4a6: {  	s13 =	rddreg [dreg:$0x10];
	s28 =	simm.s32 $0x400  }
0x4a7: {  	[hbm4b:s13+s3] =	stream.linear.scatter [tilespmem:s28], [sflag:$0x3], $0xC000, $0x38;
	[tilespmem:$0x18400] =	vst v63  }
0x4a8: {  	_ =	swait.ge [sflag:s10], $0xC000  }
0x4a9: {  	[sflag:s10] =	ssyncset.done $0x0  }
0x4aa: {  	[sflag:s10] =	ssyncadd.s32 $0xFFFF4000  }
0x4ab: {  	_ =	swait.ge [sflag:s12], $0xC000  }
0x4ac: {  	[sflag:s12] =	ssyncset.done $0x0  }
0x4ad: {  	[sflag:s12] =	ssyncadd.s32 $0xFFFF4000  }
0x4ae: {  	v3 =	vld [tilespmem:$0x380];
	_ =	sdelay $0x4  }
0x4af: {  	v56 =	vshrl.u32 v3, $0x3  }
0x4b0: {  	v4 =	vmul.u32 $0x30, v56  }
0x4b1: {  	v3 =	vand.u32 $0x7, v3  }
0x4b2: {  	v3 =	vor.u32 v3, v4  }
0x4b3: {  	v4 =	vperm.xlane v3, v0;
	_ =	sdelay $0x1  }
0x4b4: {  	v4 =	vadd.s32 v1, v4;
	_ =	sdelay $0x3  }
0x4b5: {  	v3 =	vperm.xlane v3, v2  }
0x4b6: {  	[tilespmem:s28], [sflag:$0x1] =	stream.indirect_vreg.gather [hbm4b:s2+s3], $0x80, v4, vm0, $0xb8;
	[tilespmem:$0x18400] =	vst v63  }
0x4b7: {  	s13 =	simm.s32 $0xC00;
	v3 =	vadd.s32 v1, v3  }
0x4b8: {  	[tilespmem:s13], [sflag:$0x1] =	stream.indirect_vreg.gather [hbm4b:s5+s3], $0x80, v4, vm0, $0xb8;
	[tilespmem:$0x18400] =	vst v63  }
0x4b9: {  	s13 =	simm.s32 $0x1400  }
0x4ba: {  	[tilespmem:s13], [sflag:$0x1] =	stream.indirect_vreg.gather [hbm4b:s6+s3], $0x80, v4, vm0, $0xb8;
	[tilespmem:$0x18400] =	vst v63  }
0x4bb: {  	s13 =	simm.s32 $0x1C00  }
0x4bc: {  	[tilespmem:s13], [sflag:$0x1] =	stream.indirect_vreg.gather [hbm4b:s2+s3], $0x80, v3, vm0, $0xb8;
	[tilespmem:$0x18400] =	vst v63  }
0x4bd: {  	s13 =	simm.s32 $0x2400  }
0x4be: {  	[tilespmem:s13], [sflag:$0x1] =	stream.indirect_vreg.gather [hbm4b:s5+s3], $0x80, v3, vm0, $0xb8;
	[tilespmem:$0x18400] =	vst v63  }
0x4bf: {  	s13 =	simm.s32 $0x2C00  }
0x4c0: {  	[tilespmem:s13], [sflag:$0x1] =	stream.indirect_vreg.gather [hbm4b:s6+s3], $0x80, v3, vm0, $0xb8;
	[tilespmem:$0x18400] =	vst v63  }
0x4c1: {  	v3 =	vld [tilespmem:$0x390];
	_ =	sdelay $0x4  }
0x4c2: {  	v57 =	vshrl.u32 v3, $0x3  }
0x4c3: {  	v4 =	vmul.u32 $0x30, v57  }
0x4c4: {  	v3 =	vand.u32 $0x7, v3  }
0x4c5: {  	v3 =	vor.u32 v3, v4  }
0x4c6: {  	v4 =	vperm.xlane v3, v0;
	_ =	sdelay $0x1  }
0x4c7: {  	v4 =	vadd.s32 v1, v4;
	_ =	sdelay $0x3  }
0x4c8: {  	s13 =	simm.s32 $0x3400;
	v3 =	vperm.xlane v3, v2  }
0x4c9: {  	[tilespmem:s13], [sflag:$0x1] =	stream.indirect_vreg.gather [hbm4b:s2+s3], $0x80, v4, vm0, $0xb8;
	[tilespmem:$0x18400] =	vst v63  }
0x4ca: {  	v3 =	vadd.s32 v1, v3;
	s13 =	simm.s32 $0x3C00  }
0x4cb: {  	[tilespmem:s13], [sflag:$0x1] =	stream.indirect_vreg.gather [hbm4b:s5+s3], $0x80, v4, vm0, $0xb8;
	[tilespmem:$0x18400] =	vst v63  }
0x4cc: {  	s13 =	simm.s32 $0x4400  }
0x4cd: {  	[tilespmem:s13], [sflag:$0x1] =	stream.indirect_vreg.gather [hbm4b:s6+s3], $0x80, v4, vm0, $0xb8;
	[tilespmem:$0x18400] =	vst v63  }
0x4ce: {  	s13 =	simm.s32 $0x4C00  }
0x4cf: {  	[tilespmem:s13], [sflag:$0x1] =	stream.indirect_vreg.gather [hbm4b:s2+s3], $0x80, v3, vm0, $0xb8;
	[tilespmem:$0x18400] =	vst v63  }
0x4d0: {  	s13 =	simm.s32 $0x5400  }
0x4d1: {  	[tilespmem:s13], [sflag:$0x1] =	stream.indirect_vreg.gather [hbm4b:s5+s3], $0x80, v3, vm0, $0xb8;
	[tilespmem:$0x18400] =	vst v63  }
0x4d2: {  	s13 =	simm.s32 $0x5C00  }
0x4d3: {  	[tilespmem:s13], [sflag:$0x1] =	stream.indirect_vreg.gather [hbm4b:s6+s3], $0x80, v3, vm0, $0xb8;
	[tilespmem:$0x18400] =	vst v63  }
0x4d4: {  	v3 =	vld [tilespmem:$0x3A0];
	_ =	sdelay $0x4  }
0x4d5: {  	v58 =	vshrl.u32 v3, $0x3  }
0x4d6: {  	v4 =	vmul.u32 $0x30, v58  }
0x4d7: {  	v3 =	vand.u32 $0x7, v3  }
0x4d8: {  	v3 =	vor.u32 v3, v4  }
0x4d9: {  	v4 =	vperm.xlane v3, v0;
	_ =	sdelay $0x1  }
0x4da: {  	v4 =	vadd.s32 v1, v4;
	_ =	sdelay $0x3  }
0x4db: {  	s13 =	simm.s32 $0x6400;
	v3 =	vperm.xlane v3, v2  }
0x4dc: {  	[tilespmem:s13], [sflag:$0x1] =	stream.indirect_vreg.gather [hbm4b:s2+s3], $0x80, v4, vm0, $0xb8;
	[tilespmem:$0x18400] =	vst v63  }
0x4dd: {  	s29 =	simm.s32 $0x6C00;
	v3 =	vadd.s32 v1, v3  }
0x4de: {  	[tilespmem:s29], [sflag:$0x1] =	stream.indirect_vreg.gather [hbm4b:s5+s3], $0x80, v4, vm0, $0xb8;
	[tilespmem:$0x18400] =	vst v63  }
0x4df: {  	s29 =	simm.s32 $0x7400  }
0x4e0: {  	[tilespmem:s29], [sflag:$0x1] =	stream.indirect_vreg.gather [hbm4b:s6+s3], $0x80, v4, vm0, $0xb8;
	[tilespmem:$0x18400] =	vst v63  }
0x4e1: {  	s30 =	simm.s32 $0x7C00  }
0x4e2: {  	[tilespmem:s30], [sflag:$0x1] =	stream.indirect_vreg.gather [hbm4b:s2+s3], $0x80, v3, vm0, $0xb8;
	[tilespmem:$0x18400] =	vst v63  }
0x4e3: {  	s13 =	simm.s32 $0x8400  }
0x4e4: {  	[tilespmem:s13], [sflag:$0x1] =	stream.indirect_vreg.gather [hbm4b:s5+s3], $0x80, v3, vm0, $0xb8;
	[tilespmem:$0x18400] =	vst v63  }
0x4e5: {  	s29 =	simm.s32 $0x8C00  }
0x4e6: {  	[tilespmem:s29], [sflag:$0x1] =	stream.indirect_vreg.gather [hbm4b:s6+s3], $0x80, v3, vm0, $0xb8;
	[tilespmem:$0x18400] =	vst v63  }
0x4e7: {  	v3 =	vld [tilespmem:$0x3B0];
	_ =	sdelay $0x4  }
0x4e8: {  	v59 =	vshrl.u32 v3, $0x3  }
0x4e9: {  	v4 =	vmul.u32 $0x30, v59  }
0x4ea: {  	v3 =	vand.u32 $0x7, v3  }
0x4eb: {  	v3 =	vor.u32 v3, v4  }
0x4ec: {  	v4 =	vperm.xlane v3, v0;
	_ =	sdelay $0x1  }
0x4ed: {  	v4 =	vadd.s32 v1, v4;
	_ =	sdelay $0x3  }
0x4ee: {  	s24 =	simm.s32 $0x9400;
	v3 =	vperm.xlane v3, v2  }
0x4ef: {  	[tilespmem:s24], [sflag:$0x1] =	stream.indirect_vreg.gather [hbm4b:s2+s3], $0x80, v4, vm0, $0xb8;
	[tilespmem:$0x18400] =	vst v63  }
0x4f0: {  	s31 =	simm.s32 $0x9C00;
	v3 =	vadd.s32 v1, v3  }
0x4f1: {  	[tilespmem:s31], [sflag:$0x1] =	stream.indirect_vreg.gather [hbm4b:s5+s3], $0x80, v4, vm0, $0xb8;
	[tilespmem:$0x18400] =	vst v63  }
0x4f2: {  	s30 =	simm.s32 $0xA400  }
0x4f3: {  	[tilespmem:s30], [sflag:$0x1] =	stream.indirect_vreg.gather [hbm4b:s6+s3], $0x80, v4, vm0, $0xb8;
	[tilespmem:$0x18400] =	vst v63  }
0x4f4: {  	s31 =	simm.s32 $0xAC00  }
0x4f5: {  	[tilespmem:s31], [sflag:$0x1] =	stream.indirect_vreg.gather [hbm4b:s2+s3], $0x80, v3, vm0, $0xb8;
	[tilespmem:$0x18400] =	vst v63  }
0x4f6: {  	s13 =	simm.s32 $0xB400  }
0x4f7: {  	[tilespmem:s13], [sflag:$0x1] =	stream.indirect_vreg.gather [hbm4b:s5+s3], $0x80, v3, vm0, $0xb8;
	[tilespmem:$0x18400] =	vst v63  }
0x4f8: {  	s29 =	simm.s32 $0xBC00  }
0x4f9: {  	[tilespmem:s29], [sflag:$0x1] =	stream.indirect_vreg.gather [hbm4b:s6+s3], $0x80, v3, vm0, $0xb8;
	[tilespmem:$0x18400] =	vst v63  }
0x4fa: {  	s14 =	simm.s32 $0xC400;
	s24 =	rddreg [dreg:$0x11]  }
0x4fb: {  	[hbm4b:s24+s3] =	stream.linear.scatter [tilespmem:s14], [sflag:$0x4], $0xC000, $0x38;
	[tilespmem:$0x18400] =	vst v63  }
0x4fc: {  	_ =	swait.ge [sflag:s4], $0xC000  }
0x4fd: {  	[sflag:s4] =	ssyncset.done $0x0  }
0x4fe: {  	[sflag:s4] =	ssyncadd.s32 $0xFFFF4000  }
0x4ff: {  	_ =	swait.ge [sflag:s11], $0xC000  }
0x500: {  	[sflag:s11] =	ssyncset.done $0x0  }
0x501: {  	[sflag:s11] =	ssyncadd.s32 $0xFFFF4000  }
0x502: {  	v3 =	vld [tilespmem:$0x3C0];
	_ =	sdelay $0x4  }
0x503: {  	v60 =	vshrl.u32 v3, $0x3  }
0x504: {  	v4 =	vmul.u32 $0x30, v60  }
0x505: {  	v3 =	vand.u32 $0x7, v3  }
0x506: {  	v3 =	vor.u32 v3, v4  }
0x507: {  	v4 =	vperm.xlane v3, v0;
	_ =	sdelay $0x1  }
0x508: {  	v4 =	vadd.s32 v1, v4;
	_ =	sdelay $0x3  }
0x509: {  	v3 =	vperm.xlane v3, v2  }
0x50a: {  	[tilespmem:s14], [sflag:$0x2] =	stream.indirect_vreg.gather [hbm4b:s2+s3], $0x80, v4, vm0, $0xb8;
	[tilespmem:$0x18400] =	vst v63  }
0x50b: {  	s30 =	simm.s32 $0xCC00;
	v3 =	vadd.s32 v1, v3  }
0x50c: {  	[tilespmem:s30], [sflag:$0x2] =	stream.indirect_vreg.gather [hbm4b:s5+s3], $0x80, v4, vm0, $0xb8;
	[tilespmem:$0x18400] =	vst v63  }
0x50d: {  	s31 =	simm.s32 $0xD400  }
0x50e: {  	[tilespmem:s31], [sflag:$0x2] =	stream.indirect_vreg.gather [hbm4b:s6+s3], $0x80, v4, vm0, $0xb8;
	[tilespmem:$0x18400] =	vst v63  }
0x50f: {  	s16 =	simm.s32 $0xDC00  }
0x510: {  	[tilespmem:s16], [sflag:$0x2] =	stream.indirect_vreg.gather [hbm4b:s2+s3], $0x80, v3, vm0, $0xb8;
	[tilespmem:$0x18400] =	vst v63  }
0x511: {  	s17 =	simm.s32 $0xE400  }
0x512: {  	[tilespmem:s17], [sflag:$0x2] =	stream.indirect_vreg.gather [hbm4b:s5+s3], $0x80, v3, vm0, $0xb8;
	[tilespmem:$0x18400] =	vst v63  }
0x513: {  	_ = 	snop  }
0x514: {  	[tilespmem:s7], [sflag:$0x2] =	stream.indirect_vreg.gather [hbm4b:s6+s3], $0x80, v3, vm0, $0xb8;
	[tilespmem:$0x18400] =	vst v63  }
0x515: {  	v3 =	vld [tilespmem:$0x3D0];
	_ =	sdelay $0x4  }
0x516: {  	v61 =	vshrl.u32 v3, $0x3  }
0x517: {  	v4 =	vmul.u32 $0x30, v61  }
0x518: {  	v3 =	vand.u32 $0x7, v3  }
0x519: {  	v3 =	vor.u32 v3, v4  }
0x51a: {  	v4 =	vperm.xlane v3, v0;
	_ =	sdelay $0x1  }
0x51b: {  	v4 =	vadd.s32 v1, v4;
	_ =	sdelay $0x3  }
0x51c: {  	v3 =	vperm.xlane v3, v2  }
0x51d: {  	[tilespmem:s9], [sflag:$0x2] =	stream.indirect_vreg.gather [hbm4b:s2+s3], $0x80, v4, vm0, $0xb8;
	[tilespmem:$0x18400] =	vst v63  }
0x51e: {  	s20 =	simm.s32 $0xFC00;
	v3 =	vadd.s32 v1, v3  }
0x51f: {  	[tilespmem:s20], [sflag:$0x2] =	stream.indirect_vreg.gather [hbm4b:s5+s3], $0x80, v4, vm0, $0xb8;
	[tilespmem:$0x18400] =	vst v63  }
0x520: {  	s18 =	simm.s32 $0x10400  }
0x521: {  	[tilespmem:s18], [sflag:$0x2] =	stream.indirect_vreg.gather [hbm4b:s6+s3], $0x80, v4, vm0, $0xb8;
	[tilespmem:$0x18400] =	vst v63  }
0x522: {  	s21 =	simm.s32 $0x10C00  }
0x523: {  	[tilespmem:s21], [sflag:$0x2] =	stream.indirect_vreg.gather [hbm4b:s2+s3], $0x80, v3, vm0, $0xb8;
	[tilespmem:$0x18400] =	vst v63  }
0x524: {  	s22 =	simm.s32 $0x11400  }
0x525: {  	[tilespmem:s22], [sflag:$0x2] =	stream.indirect_vreg.gather [hbm4b:s5+s3], $0x80, v3, vm0, $0xb8;
	[tilespmem:$0x18400] =	vst v63  }
0x526: {  	_ = 	snop  }
0x527: {  	[tilespmem:s8], [sflag:$0x2] =	stream.indirect_vreg.gather [hbm4b:s6+s3], $0x80, v3, vm0, $0xb8;
	[tilespmem:$0x18400] =	vst v63  }
0x528: {  	v3 =	vld [tilespmem:$0x3E0];
	_ =	sdelay $0x4  }
0x529: {  	v62 =	vshrl.u32 v3, $0x3  }
0x52a: {  	v4 =	vmul.u32 $0x30, v62  }
0x52b: {  	v3 =	vand.u32 $0x7, v3  }
0x52c: {  	v3 =	vor.u32 v3, v4  }
0x52d: {  	v4 =	vperm.xlane v3, v0;
	_ =	sdelay $0x1  }
0x52e: {  	v4 =	vadd.s32 v1, v4;
	_ =	sdelay $0x3  }
0x52f: {  	s21 =	simm.s32 $0x12400;
	v3 =	vperm.xlane v3, v2  }
0x530: {  	[tilespmem:s21], [sflag:$0x2] =	stream.indirect_vreg.gather [hbm4b:s2+s3], $0x80, v4, vm0, $0xb8;
	[tilespmem:$0x18400] =	vst v63  }
0x531: {  	s22 =	simm.s32 $0x12C00;
	v3 =	vadd.s32 v1, v3  }
0x532: {  	[tilespmem:s22], [sflag:$0x2] =	stream.indirect_vreg.gather [hbm4b:s5+s3], $0x80, v4, vm0, $0xb8;
	[tilespmem:$0x18400] =	vst v63  }
0x533: {  	s19 =	simm.s32 $0x13400  }
0x534: {  	[tilespmem:s19], [sflag:$0x2] =	stream.indirect_vreg.gather [hbm4b:s6+s3], $0x80, v4, vm0, $0xb8;
	[tilespmem:$0x18400] =	vst v63  }
0x535: {  	s23 =	simm.s32 $0x13C00  }
0x536: {  	[tilespmem:s23], [sflag:$0x2] =	stream.indirect_vreg.gather [hbm4b:s2+s3], $0x80, v3, vm0, $0xb8;
	[tilespmem:$0x18400] =	vst v63  }
0x537: {  	s25 =	simm.s32 $0x14400  }
0x538: {  	[tilespmem:s25], [sflag:$0x2] =	stream.indirect_vreg.gather [hbm4b:s5+s3], $0x80, v3, vm0, $0xb8;
	[tilespmem:$0x18400] =	vst v63  }
0x539: {  	s23 =	simm.s32 $0x14C00  }
0x53a: {  	[tilespmem:s23], [sflag:$0x2] =	stream.indirect_vreg.gather [hbm4b:s6+s3], $0x80, v3, vm0, $0xb8;
	[tilespmem:$0x18400] =	vst v63  }
0x53b: {  	v3 =	vld [tilespmem:$0x3F0];
	_ =	sdelay $0x4  }
0x53c: {  	v63 =	vshrl.u32 v3, $0x3  }
0x53d: {  	v4 =	vmul.u32 $0x30, v63  }
0x53e: {  	v3 =	vand.u32 $0x7, v3  }
0x53f: {  	v3 =	vor.u32 v3, v4  }
0x540: {  	v4 =	vperm.xlane v3, v0;
	_ =	sdelay $0x1  }
0x541: {  	v4 =	vadd.s32 v1, v4;
	_ =	sdelay $0x3  }
0x542: {  	s24 =	simm.s32 $0x15400;
	v3 =	vperm.xlane v3, v2  }
0x543: {  	[tilespmem:s24], [sflag:$0x2] =	stream.indirect_vreg.gather [hbm4b:s2+s3], $0x80, v4, vm0, $0xb8;
	[tilespmem:$0x18400] =	vst v63  }
0x544: {  	s25 =	simm.s32 $0x15C00;
	v3 =	vadd.s32 v1, v3  }
0x545: {  	[tilespmem:s25], [sflag:$0x2] =	stream.indirect_vreg.gather [hbm4b:s5+s3], $0x80, v4, vm0, $0xb8;
	[tilespmem:$0x18400] =	vst v63  }
0x546: {  	s15 =	simm.s32 $0x16400  }
0x547: {  	[tilespmem:s15], [sflag:$0x2] =	stream.indirect_vreg.gather [hbm4b:s6+s3], $0x80, v4, vm0, $0xb8;
	[tilespmem:$0x18400] =	vst v63  }
0x548: {  	s26 =	simm.s32 $0x16C00  }
0x549: {  	[tilespmem:s26], [sflag:$0x2] =	stream.indirect_vreg.gather [hbm4b:s2+s3], $0x80, v3, vm0, $0xb8;
	[tilespmem:$0x18400] =	vst v63  }
0x54a: {  	_ = 	snop  }
0x54b: {  	[tilespmem:s1], [sflag:$0x2] =	stream.indirect_vreg.gather [hbm4b:s5+s3], $0x80, v3, vm0, $0xb8;
	[tilespmem:$0x18400] =	vst v63  }
0x54c: {  	s30 =	simm.s32 $0x17C00  }
0x54d: {  	[tilespmem:s30], [sflag:$0x2] =	stream.indirect_vreg.gather [hbm4b:s6+s3], $0x80, v3, vm0, $0xb8;
	[tilespmem:$0x18400] =	vst v63  }
0x54e: {  	s28 =	simm.s32 $0x400;
	s29 =	rddreg [dreg:$0x12]  }
0x54f: {  	[hbm4b:s29+s3] =	stream.linear.scatter [tilespmem:s28], [sflag:$0x3], $0xC000, $0x38;
	[tilespmem:$0x18400] =	vst v63  }
0x550: {  	s0 =	rddreg [dreg:$0x15];
	_ =	swait.ge [sflag:s10], $0xC000  }
0x551: {  	[sflag:s10] =	ssyncset.done $0x0  }
0x552: {  	[sflag:s10] =	ssyncadd.s32 $0xFFFF4000  }
0x553: {  	_ =	swait.ge [sflag:s12], $0xC000  }
0x554: {  	[sflag:s12] =	ssyncset.done $0x0  }
0x555: {  	s31 =	rddreg [dreg:$0x13];
	[sflag:s12] =	ssyncadd.s32 $0xFFFF4000  }
0x556: {  	[hbm4b:s31+s3] =	stream.linear.scatter [tilespmem:s14], [sflag:$0x4], $0xC000, $0x38;
	[tilespmem:$0x18400] =	vst v63  }
0x557: {  	p0 =	sne.s32 s0, $0x1;
	_ =	swait.ge [sflag:s11], $0xC000  }
.Ltmp0:
0x558: {  	[sflag:s11] =	ssyncset.done $0x0;
	(pc) =	sbr.rel @p0 .LBB2_1-.Ltmp0, $4  }
0x559: {  	[sflag:s11] =	ssyncadd.s32 $0xFFFF4000  }
0x55a: {  	_ =	swait.ge [sflag:s12], $0xC000  }
0x55b: {  	[sflag:s12] =	ssyncset.done $0x0  }
0x55c: {  	s0 =	sadd.s32 $0xFFFFFFFF, s0;
	[sflag:s12] =	ssyncadd.s32 $0xFFFF4000  }
0x55d: {  	_ =	sfence.sel $0x180000  }
0x55e: {  	[bflag:$0x0] =	sbarrier.arrive $0xFFFF  }
0x55f: {  	_ =	strace $0x90000047  }
0x560: {  	s0 =	stileid.u32;
	[bflag:$0x2] =	sbarrier.arrive $0xFFFF  }
0x561: {  	p0 =	sne.s32 s0, $0x0;
	s0 =	rddreg [dreg:$0x3]  }
0x562: {  	s0 =	sadd.s32 @!p0 $0x100000, s0  }
0x563: {  	[sflag:s0] =	ssyncadd.tile.s32 @!p0 $0x1;
	_ =	shalt  }
.Lfunc_end2:
_tile_overlayer_lowered:
.L_overlay_start_2:
0x564: {  	(tag) =	ssettag $0x2  }
0x565: {  	s0 =	rddreg [dreg:$0x0];
	s2 =	stileid.u32  }
0x566: {  	s1 =	rddreg [dreg:$0x1];
	p0 =	sne.s32 s2, $0x0  }
0x567: {  	s3 =	rddreg [dreg:$0x2];
	[bflag:$0x3] =	sbarrier.arrive $0xFFFF;
	s2 =	simm.s32 @!p0 $0x1C05  }
0x568: {  	[timem:s3], [sflag:s2] =	dma.local @!p0 [hbm:s0], s1  }
0x569: {  	s0 =	simm.s32 @!p0 $0x5  }
0x56a: {  	_ =	swait.ge @!p0 [sflag:s0], s1  }
0x56b: {  	s1 =	ssub.s32 @!p0 $0x0, s1;
	[sflag:s0] =	ssyncset.done @!p0 $0x0  }
0x56c: {  	[sflag:s0] =	ssyncadd.s32 @!p0 s1  }
0x56d: {  	[bflag:$0x3] =	sbarrier.arrive $0xFFFF  }
0x56e: {  	_ =	shalt  }

</sc_bundles>
